<compile_context>
chip_gen: v7x
topology: tpu7x:2x2x1
jax: 0.10.2.dev20260603
libtpu: 0.0.44.dev20260713+nightly
codegen_flags: <defaults>
</compile_context>

<pallas_src>
import functools

import jax
import jax.numpy as jnp
from jax import lax
from jax.experimental import pallas as pl
from jax.experimental.pallas import tpu as pltpu
from jax.experimental.pallas import tpu_sc as plsc

_BATCH = 16384
_HIST = 50
_DIM = 64
_N = _BATCH * _HIST
_NC = 2
_NS = 16
_NW = _NC * _NS
_PER_W = _N // _NW
_K = 128
_NCHUNK = _PER_W // _K
_NBUF = 8
_LEAD = 4
_NGRP = _NCHUNK // _NBUF


def _make_gather():
    mesh = plsc.VectorSubcoreMesh(core_axis_name="c", subcore_axis_name="s")

    @functools.partial(
        pl.kernel,
        mesh=mesh,
        out_type=jax.ShapeDtypeStruct((_N, _DIM), jnp.float32),
        compiler_params=pltpu.CompilerParams(use_tc_tiling_on_sc=False),
        scratch_types=[
            pltpu.VMEM((_NCHUNK, _K), jnp.int32),
            pltpu.VMEM((_NBUF, _K, _DIM), jnp.float32),
        ]
        + [pltpu.SemaphoreType.DMA] * (2 * _NBUF),
    )
    def gather_kernel(idx_hbm, table_hbm, out_hbm, idx_v, rows_v, *sems):
        gsem = sems[:_NBUF]
        osem = sems[_NBUF:]
        wid = lax.axis_index("s") * _NC + lax.axis_index("c")
        base = wid * _PER_W
        pltpu.sync_copy(idx_hbm.at[wid], idx_v)

        def start_gather(j, b):
            pltpu.async_copy(table_hbm.at[idx_v.at[j]], rows_v.at[b], gsem[b])

        def wait_gather(b):
            pltpu.make_async_copy(
                out_hbm.at[pl.ds(base, _K)], rows_v.at[b], gsem[b]
            ).wait()

        def wait_out(b):
            pltpu.make_async_copy(
                rows_v.at[b], out_hbm.at[pl.ds(base, _K)], osem[b]
            ).wait()

        for jj in range(_LEAD):
            start_gather(jj, jj)

        def body(g, carry):
            for b in range(_NBUF):
                j = g * _NBUF + b
                tgt = (b + _LEAD) % _NBUF
                jg = j + _LEAD

                @pl.when(jg < _NCHUNK)
                def _issue():
                    @pl.when(jg >= _NBUF)
                    def _reclaim():
                        wait_out(tgt)

                    start_gather(jg, tgt)

                wait_gather(b)
                pltpu.async_copy(
                    rows_v.at[b], out_hbm.at[pl.ds(base + j * _K, _K)], osem[b]
                )
            return carry

        lax.fori_loop(0, _NGRP, body, 0)
        for b in range(_NBUF):
            wait_out(b)

    return gather_kernel


_gather = _make_gather()


def kernel(wordids, table):
    idx = wordids.reshape(_NW, _NCHUNK, _K)
    if idx.dtype != jnp.int32:
        idx = idx.astype(jnp.int32)
    out = _gather(idx, table)
    return out.reshape(_BATCH, _HIST, _DIM)

# --- scband reference (transcript-rebuilt; emitter-appended) ---
"""Pipeline reference for scband-embed-layer-31645319037312 (READ-ONLY COPY).

The authoritative reference and input builder live on the scoring server;
editing this copy changes nothing except your own understanding.
"""

import jax, jax.numpy as jnp
import numpy as np

NUM_WORDS = 1000000
DIM_WORD = 64
BATCH = 16384
HIST_LEN = 50


def setup_inputs(seed: int = 0) -> dict:
    key = jax.random.key(seed)
    k_idx, k_tab = jax.random.split(key)
    wordids = jax.random.randint(k_idx, (BATCH, HIST_LEN), 0, NUM_WORDS, dtype=jnp.int64) if jax.config.jax_enable_x64 else jax.random.randint(k_idx, (BATCH, HIST_LEN), 0, NUM_WORDS, dtype=jnp.int32)
    table = jax.random.normal(k_tab, (NUM_WORDS, DIM_WORD), dtype=jnp.float32) * 0.02
    return {"wordids": wordids, "table": table}


def reference(wordids, table):
    # EmbedLayer.forward with bow=False: plain embedding lookup
    wordemb = jnp.take(table, wordids, axis=0)
    return wordemb

if __name__ == "__main__":
    import jax
    _d = setup_inputs()
    print(jax.jit(kernel)(*tuple(_d.values())))

</pallas_src>

<mosaic_0001>
#map = affine_map<(d0, d1) -> (0, 0, 0)>
#map1 = affine_map<(d0, d1) -> (0, 0)>
module attributes {stable_mosaic.version = 14 : i64} {
  func.func @gather_kernel(%arg0: i32, %arg1: i32, %arg2: memref<32x200x128xi32, #tpu.memory_space<hbm>>, %arg3: memref<1000000x64xf32, #tpu.memory_space<hbm>>, %arg4: memref<819200x64xf32, #tpu.memory_space<hbm>>, %arg5: memref<200x128xi32, #tpu.memory_space<vmem>>, %arg6: memref<8x128x64xf32, #tpu.memory_space<vmem>>, %arg7: memref<!tpu.dma_semaphore, #tpu.memory_space<semaphore_mem>>, %arg8: memref<!tpu.dma_semaphore, #tpu.memory_space<semaphore_mem>>, %arg9: memref<!tpu.dma_semaphore, #tpu.memory_space<semaphore_mem>>, %arg10: memref<!tpu.dma_semaphore, #tpu.memory_space<semaphore_mem>>, %arg11: memref<!tpu.dma_semaphore, #tpu.memory_space<semaphore_mem>>, %arg12: memref<!tpu.dma_semaphore, #tpu.memory_space<semaphore_mem>>, %arg13: memref<!tpu.dma_semaphore, #tpu.memory_space<semaphore_mem>>, %arg14: memref<!tpu.dma_semaphore, #tpu.memory_space<semaphore_mem>>, %arg15: memref<!tpu.dma_semaphore, #tpu.memory_space<semaphore_mem>>, %arg16: memref<!tpu.dma_semaphore, #tpu.memory_space<semaphore_mem>>, %arg17: memref<!tpu.dma_semaphore, #tpu.memory_space<semaphore_mem>>, %arg18: memref<!tpu.dma_semaphore, #tpu.memory_space<semaphore_mem>>, %arg19: memref<!tpu.dma_semaphore, #tpu.memory_space<semaphore_mem>>, %arg20: memref<!tpu.dma_semaphore, #tpu.memory_space<semaphore_mem>>, %arg21: memref<!tpu.dma_semaphore, #tpu.memory_space<semaphore_mem>>, %arg22: memref<!tpu.dma_semaphore, #tpu.memory_space<semaphore_mem>>) attributes {dimension_semantics = [#tpu.dimension_semantics<core_parallel>, #tpu.dimension_semantics<subcore_parallel>], iteration_bounds = array<i64: 2, 16>, scalar_prefetch = 0 : i64, scratch_operands = 18 : i64, tpu.core_type = #tpu.core_type<sc_vector_subcore>, window_params = [{transform_indices = #map}, {transform_indices = #map1}, {transform_indices = #map1}]} {
    %mul3A = arith.constant 2 : i32
    %mul3A_0 = arith.muli %arg1, %mul3A : i32
    %add3A = arith.addi %mul3A_0, %arg0 : i32
    %mul3A_1 = arith.constant 25600 : i32
    %mul3A_2 = arith.muli %add3A, %mul3A_1 : i32
    "tpu.region"() ({
      %run_scoped3A = tpu.sem_alloc : memref<!tpu.dma_semaphore, #tpu.memory_space<semaphore_mem>>
      %dma_start3A_158 = arith.constant 0 : i32
      %dma_start3A_159 = arith.constant 0 : i32
      %dma_start3A_160 = tpu.memref_slice %arg2[%add3A, %dma_start3A_158, %dma_start3A_159] : memref<32x200x128xi32, #tpu.memory_space<hbm>> -> memref<1x200x128xi32, #tpu.memory_space<hbm>>
      %dma_start3A_161 = tpu.memref_squeeze %dma_start3A_160 : memref<1x200x128xi32, #tpu.memory_space<hbm>> -> memref<200x128xi32, #tpu.memory_space<hbm>>
      %dma_start3A_162 = arith.constant 0 : i32
      %dma_start3A_163 = arith.constant 0 : i32
      %dma_start3A_164 = tpu.memref_slice %arg2[%add3A, %dma_start3A_162, %dma_start3A_163] : memref<32x200x128xi32, #tpu.memory_space<hbm>> -> memref<1x200x128xi32, #tpu.memory_space<hbm>>
      %dma_start3A_165 = tpu.memref_squeeze %dma_start3A_164 : memref<1x200x128xi32, #tpu.memory_space<hbm>> -> memref<200x128xi32, #tpu.memory_space<hbm>>
      tpu.enqueue_dma source(%dma_start3A_165 : memref<200x128xi32, #tpu.memory_space<hbm>>) target(%arg5 : memref<200x128xi32, #tpu.memory_space<vmem>>) target_semaphore(%run_scoped3A : memref<!tpu.dma_semaphore, #tpu.memory_space<semaphore_mem>>)
      %dma_wait3A_166 = arith.constant 0 : i32
      %dma_wait3A_167 = arith.constant 0 : i32
      %dma_wait3A_168 = tpu.memref_slice %arg2[%add3A, %dma_wait3A_166, %dma_wait3A_167] : memref<32x200x128xi32, #tpu.memory_space<hbm>> -> memref<1x200x128xi32, #tpu.memory_space<hbm>>
      %dma_wait3A_169 = tpu.memref_squeeze %dma_wait3A_168 : memref<1x200x128xi32, #tpu.memory_space<hbm>> -> memref<200x128xi32, #tpu.memory_space<hbm>>
      %dma_wait3A_170 = arith.constant 0 : i32
      %dma_wait3A_171 = arith.constant 0 : i32
      %dma_wait3A_172 = tpu.memref_slice %arg2[%add3A, %dma_wait3A_170, %dma_wait3A_171] : memref<32x200x128xi32, #tpu.memory_space<hbm>> -> memref<1x200x128xi32, #tpu.memory_space<hbm>>
      %dma_wait3A_173 = tpu.memref_squeeze %dma_wait3A_172 : memref<1x200x128xi32, #tpu.memory_space<hbm>> -> memref<200x128xi32, #tpu.memory_space<hbm>>
      tpu.wait_dma2 semaphore(%run_scoped3A : memref<!tpu.dma_semaphore, #tpu.memory_space<semaphore_mem>>) src(%dma_wait3A_173 : memref<200x128xi32, #tpu.memory_space<hbm>>) dst(%arg5 : memref<200x128xi32, #tpu.memory_space<vmem>>)
      tpu.yield
    }) : () -> ()
    %dma_start3A = arith.constant 0 : i32
    %dma_start3A_3 = arith.constant 0 : i32
    %dma_start3A_4 = arith.constant 0 : i32
    %dma_start3A_5 = arith.constant 0 : i32
    %dma_start3A_6 = tpu.memref_slice %arg6[%dma_start3A_3, %dma_start3A_4, %dma_start3A_5] : memref<8x128x64xf32, #tpu.memory_space<vmem>> -> memref<1x128x64xf32, #tpu.memory_space<vmem>>
    %dma_start3A_7 = tpu.memref_squeeze %dma_start3A_6 : memref<1x128x64xf32, #tpu.memory_space<vmem>> -> memref<128x64xf32, #tpu.memory_space<vmem>>
    %dma_start3A_8 = arith.constant 0 : i32
    %dma_start3A_9 = tpu.memref_slice %arg5[%dma_start3A, %dma_start3A_8] : memref<200x128xi32, #tpu.memory_space<vmem>> -> memref<1x128xi32, #tpu.memory_space<vmem>>
    %dma_start3A_10 = tpu.memref_squeeze %dma_start3A_9 : memref<1x128xi32, #tpu.memory_space<vmem>> -> memref<128xi32, #tpu.memory_space<vmem>>
    %dma_start3A_11 = arith.constant 0 : i32
    %dma_start3A_12 = arith.constant 0 : i32
    %dma_start3A_13 = tpu.memref_slice %arg3[%dma_start3A_11, %dma_start3A_12] : memref<1000000x64xf32, #tpu.memory_space<hbm>> -> memref<1000000x64xf32, #tpu.memory_space<hbm>>
    tpu.enqueue_indirect_dma source(%dma_start3A_13 : memref<1000000x64xf32, #tpu.memory_space<hbm>>) target(%dma_start3A_7 : memref<128x64xf32, #tpu.memory_space<vmem>>) offsets(%dma_start3A_10 : memref<128xi32, #tpu.memory_space<vmem>>) semaphore(%arg7 : memref<!tpu.dma_semaphore, #tpu.memory_space<semaphore_mem>>)
    %dma_start3A_14 = arith.constant 1 : i32
    %dma_start3A_15 = arith.constant 1 : i32
    %dma_start3A_16 = arith.constant 0 : i32
    %dma_start3A_17 = arith.constant 0 : i32
    %dma_start3A_18 = tpu.memref_slice %arg6[%dma_start3A_15, %dma_start3A_16, %dma_start3A_17] : memref<8x128x64xf32, #tpu.memory_space<vmem>> -> memref<1x128x64xf32, #tpu.memory_space<vmem>>
    %dma_start3A_19 = tpu.memref_squeeze %dma_start3A_18 : memref<1x128x64xf32, #tpu.memory_space<vmem>> -> memref<128x64xf32, #tpu.memory_space<vmem>>
    %dma_start3A_20 = arith.constant 0 : i32
    %dma_start3A_21 = tpu.memref_slice %arg5[%dma_start3A_14, %dma_start3A_20] : memref<200x128xi32, #tpu.memory_space<vmem>> -> memref<1x128xi32, #tpu.memory_space<vmem>>
    %dma_start3A_22 = tpu.memref_squeeze %dma_start3A_21 : memref<1x128xi32, #tpu.memory_space<vmem>> -> memref<128xi32, #tpu.memory_space<vmem>>
    %dma_start3A_23 = arith.constant 0 : i32
    %dma_start3A_24 = arith.constant 0 : i32
    %dma_start3A_25 = tpu.memref_slice %arg3[%dma_start3A_23, %dma_start3A_24] : memref<1000000x64xf32, #tpu.memory_space<hbm>> -> memref<1000000x64xf32, #tpu.memory_space<hbm>>
    tpu.enqueue_indirect_dma source(%dma_start3A_25 : memref<1000000x64xf32, #tpu.memory_space<hbm>>) target(%dma_start3A_19 : memref<128x64xf32, #tpu.memory_space<vmem>>) offsets(%dma_start3A_22 : memref<128xi32, #tpu.memory_space<vmem>>) semaphore(%arg8 : memref<!tpu.dma_semaphore, #tpu.memory_space<semaphore_mem>>)
    %dma_start3A_26 = arith.constant 2 : i32
    %dma_start3A_27 = arith.constant 2 : i32
    %dma_start3A_28 = arith.constant 0 : i32
    %dma_start3A_29 = arith.constant 0 : i32
    %dma_start3A_30 = tpu.memref_slice %arg6[%dma_start3A_27, %dma_start3A_28, %dma_start3A_29] : memref<8x128x64xf32, #tpu.memory_space<vmem>> -> memref<1x128x64xf32, #tpu.memory_space<vmem>>
    %dma_start3A_31 = tpu.memref_squeeze %dma_start3A_30 : memref<1x128x64xf32, #tpu.memory_space<vmem>> -> memref<128x64xf32, #tpu.memory_space<vmem>>
    %dma_start3A_32 = arith.constant 0 : i32
    %dma_start3A_33 = tpu.memref_slice %arg5[%dma_start3A_26, %dma_start3A_32] : memref<200x128xi32, #tpu.memory_space<vmem>> -> memref<1x128xi32, #tpu.memory_space<vmem>>
    %dma_start3A_34 = tpu.memref_squeeze %dma_start3A_33 : memref<1x128xi32, #tpu.memory_space<vmem>> -> memref<128xi32, #tpu.memory_space<vmem>>
    %dma_start3A_35 = arith.constant 0 : i32
    %dma_start3A_36 = arith.constant 0 : i32
    %dma_start3A_37 = tpu.memref_slice %arg3[%dma_start3A_35, %dma_start3A_36] : memref<1000000x64xf32, #tpu.memory_space<hbm>> -> memref<1000000x64xf32, #tpu.memory_space<hbm>>
    tpu.enqueue_indirect_dma source(%dma_start3A_37 : memref<1000000x64xf32, #tpu.memory_space<hbm>>) target(%dma_start3A_31 : memref<128x64xf32, #tpu.memory_space<vmem>>) offsets(%dma_start3A_34 : memref<128xi32, #tpu.memory_space<vmem>>) semaphore(%arg9 : memref<!tpu.dma_semaphore, #tpu.memory_space<semaphore_mem>>)
    %dma_start3A_38 = arith.constant 3 : i32
    %dma_start3A_39 = arith.constant 3 : i32
    %dma_start3A_40 = arith.constant 0 : i32
    %dma_start3A_41 = arith.constant 0 : i32
    %dma_start3A_42 = tpu.memref_slice %arg6[%dma_start3A_39, %dma_start3A_40, %dma_start3A_41] : memref<8x128x64xf32, #tpu.memory_space<vmem>> -> memref<1x128x64xf32, #tpu.memory_space<vmem>>
    %dma_start3A_43 = tpu.memref_squeeze %dma_start3A_42 : memref<1x128x64xf32, #tpu.memory_space<vmem>> -> memref<128x64xf32, #tpu.memory_space<vmem>>
    %dma_start3A_44 = arith.constant 0 : i32
    %dma_start3A_45 = tpu.memref_slice %arg5[%dma_start3A_38, %dma_start3A_44] : memref<200x128xi32, #tpu.memory_space<vmem>> -> memref<1x128xi32, #tpu.memory_space<vmem>>
    %dma_start3A_46 = tpu.memref_squeeze %dma_start3A_45 : memref<1x128xi32, #tpu.memory_space<vmem>> -> memref<128xi32, #tpu.memory_space<vmem>>
    %dma_start3A_47 = arith.constant 0 : i32
    %dma_start3A_48 = arith.constant 0 : i32
    %dma_start3A_49 = tpu.memref_slice %arg3[%dma_start3A_47, %dma_start3A_48] : memref<1000000x64xf32, #tpu.memory_space<hbm>> -> memref<1000000x64xf32, #tpu.memory_space<hbm>>
    tpu.enqueue_indirect_dma source(%dma_start3A_49 : memref<1000000x64xf32, #tpu.memory_space<hbm>>) target(%dma_start3A_43 : memref<128x64xf32, #tpu.memory_space<vmem>>) offsets(%dma_start3A_46 : memref<128xi32, #tpu.memory_space<vmem>>) semaphore(%arg10 : memref<!tpu.dma_semaphore, #tpu.memory_space<semaphore_mem>>)
    %scan3A = arith.constant 0 : i32
    %scan3A_50 = arith.constant 0 : i32
    %scan3A_51 = arith.constant 25 : i32
    %scan3A_52 = arith.addi %scan3A_50, %scan3A_51 : i32
    %scan3A_53 = arith.constant 1 : i32
    scf.for %scan3A_158 = %scan3A_50 to %scan3A_52 step %scan3A_53  : i32 {
      %mul3A_159 = arith.constant 8 : i32
      %mul3A_160 = arith.muli %scan3A_158, %mul3A_159 : i32
      %add3A_161 = arith.constant 0 : i32
      %add3A_162 = arith.addi %mul3A_160, %add3A_161 : i32
      %add3A_163 = arith.constant 4 : i32
      %add3A_164 = arith.addi %add3A_162, %add3A_163 : i32
      %lt3A = arith.constant 200 : i32
      %lt3A_165 = arith.cmpi slt, %add3A_164, %lt3A : i32
      %convert_element_type3A = arith.extui %lt3A_165 : i1 to i32
      %cond3A = arith.constant 0 : i32
      %cond3A_166 = arith.cmpi ne, %convert_element_type3A, %cond3A : i32
      scf.if %cond3A_166 {
        %ge3A = arith.constant 8 : i32
        %ge3A_476 = arith.cmpi sge, %add3A_164, %ge3A : i32
        %convert_element_type3A_477 = arith.extui %ge3A_476 : i1 to i32
        %cond3A_478 = arith.constant 0 : i32
        %cond3A_479 = arith.cmpi ne, %convert_element_type3A_477, %cond3A_478 : i32
        scf.if %cond3A_479 {
          %dma_wait3A_491 = arith.constant 4 : i32
          %dma_wait3A_492 = arith.constant 0 : i32
          %dma_wait3A_493 = arith.constant 0 : i32
          %dma_wait3A_494 = tpu.memref_slice %arg6[%dma_wait3A_491, %dma_wait3A_492, %dma_wait3A_493] : memref<8x128x64xf32, #tpu.memory_space<vmem>> -> memref<1x128x64xf32, #tpu.memory_space<vmem>>
          %dma_wait3A_495 = tpu.memref_squeeze %dma_wait3A_494 : memref<1x128x64xf32, #tpu.memory_space<vmem>> -> memref<128x64xf32, #tpu.memory_space<vmem>>
          %dma_wait3A_496 = arith.constant 0 : i32
          %dma_wait3A_497 = tpu.memref_slice %arg4[%mul3A_2, %dma_wait3A_496] : memref<819200x64xf32, #tpu.memory_space<hbm>> -> memref<128x64xf32, #tpu.memory_space<hbm>>
          %dma_wait3A_498 = arith.constant 0 : i32
          %dma_wait3A_499 = tpu.memref_slice %arg4[%mul3A_2, %dma_wait3A_498] : memref<819200x64xf32, #tpu.memory_space<hbm>> -> memref<128x64xf32, #tpu.memory_space<hbm>>
          %dma_wait3A_500 = arith.constant 0 : i32
          %dma_wait3A_501 = arith.constant 0 : i32
          %dma_wait3A_502 = tpu.memref_slice %arg6[%dma_wait3A_491, %dma_wait3A_500, %dma_wait3A_501] : memref<8x128x64xf32, #tpu.memory_space<vmem>> -> memref<1x128x64xf32, #tpu.memory_space<vmem>>
          %dma_wait3A_503 = tpu.memref_squeeze %dma_wait3A_502 : memref<1x128x64xf32, #tpu.memory_space<vmem>> -> memref<128x64xf32, #tpu.memory_space<vmem>>
          tpu.wait_dma2 semaphore(%arg19 : memref<!tpu.dma_semaphore, #tpu.memory_space<semaphore_mem>>) src(%dma_wait3A_503 : memref<128x64xf32, #tpu.memory_space<vmem>>) dst(%dma_wait3A_499 : memref<128x64xf32, #tpu.memory_space<hbm>>)
        } else {
        }
        %dma_start3A_480 = arith.constant 4 : i32
        %dma_start3A_481 = arith.constant 0 : i32
        %dma_start3A_482 = arith.constant 0 : i32
        %dma_start3A_483 = tpu.memref_slice %arg6[%dma_start3A_480, %dma_start3A_481, %dma_start3A_482] : memref<8x128x64xf32, #tpu.memory_space<vmem>> -> memref<1x128x64xf32, #tpu.memory_space<vmem>>
        %dma_start3A_484 = tpu.memref_squeeze %dma_start3A_483 : memref<1x128x64xf32, #tpu.memory_space<vmem>> -> memref<128x64xf32, #tpu.memory_space<vmem>>
        %dma_start3A_485 = arith.constant 0 : i32
        %dma_start3A_486 = tpu.memref_slice %arg5[%add3A_164, %dma_start3A_485] : memref<200x128xi32, #tpu.memory_space<vmem>> -> memref<1x128xi32, #tpu.memory_space<vmem>>
        %dma_start3A_487 = tpu.memref_squeeze %dma_start3A_486 : memref<1x128xi32, #tpu.memory_space<vmem>> -> memref<128xi32, #tpu.memory_space<vmem>>
        %dma_start3A_488 = arith.constant 0 : i32
        %dma_start3A_489 = arith.constant 0 : i32
        %dma_start3A_490 = tpu.memref_slice %arg3[%dma_start3A_488, %dma_start3A_489] : memref<1000000x64xf32, #tpu.memory_space<hbm>> -> memref<1000000x64xf32, #tpu.memory_space<hbm>>
        tpu.enqueue_indirect_dma source(%dma_start3A_490 : memref<1000000x64xf32, #tpu.memory_space<hbm>>) target(%dma_start3A_484 : memref<128x64xf32, #tpu.memory_space<vmem>>) offsets(%dma_start3A_487 : memref<128xi32, #tpu.memory_space<vmem>>) semaphore(%arg11 : memref<!tpu.dma_semaphore, #tpu.memory_space<semaphore_mem>>)
      } else {
      }
      %dma_wait3A_167 = arith.constant 0 : i32
      %dma_wait3A_168 = arith.constant 0 : i32
      %dma_wait3A_169 = arith.constant 0 : i32
      %dma_wait3A_170 = tpu.memref_slice %arg6[%dma_wait3A_167, %dma_wait3A_168, %dma_wait3A_169] : memref<8x128x64xf32, #tpu.memory_space<vmem>> -> memref<1x128x64xf32, #tpu.memory_space<vmem>>
      %dma_wait3A_171 = tpu.memref_squeeze %dma_wait3A_170 : memref<1x128x64xf32, #tpu.memory_space<vmem>> -> memref<128x64xf32, #tpu.memory_space<vmem>>
      %dma_wait3A_172 = arith.constant 0 : i32
      %dma_wait3A_173 = tpu.memref_slice %arg4[%mul3A_2, %dma_wait3A_172] : memref<819200x64xf32, #tpu.memory_space<hbm>> -> memref<128x64xf32, #tpu.memory_space<hbm>>
      %dma_wait3A_174 = arith.constant 0 : i32
      %dma_wait3A_175 = arith.constant 0 : i32
      %dma_wait3A_176 = tpu.memref_slice %arg6[%dma_wait3A_167, %dma_wait3A_174, %dma_wait3A_175] : memref<8x128x64xf32, #tpu.memory_space<vmem>> -> memref<1x128x64xf32, #tpu.memory_space<vmem>>
      %dma_wait3A_177 = tpu.memref_squeeze %dma_wait3A_176 : memref<1x128x64xf32, #tpu.memory_space<vmem>> -> memref<128x64xf32, #tpu.memory_space<vmem>>
      %dma_wait3A_178 = arith.constant 0 : i32
      %dma_wait3A_179 = tpu.memref_slice %arg4[%mul3A_2, %dma_wait3A_178] : memref<819200x64xf32, #tpu.memory_space<hbm>> -> memref<128x64xf32, #tpu.memory_space<hbm>>
      tpu.wait_dma2 semaphore(%arg7 : memref<!tpu.dma_semaphore, #tpu.memory_space<semaphore_mem>>) src(%dma_wait3A_179 : memref<128x64xf32, #tpu.memory_space<hbm>>) dst(%dma_wait3A_177 : memref<128x64xf32, #tpu.memory_space<vmem>>)
      %mul3A_180 = arith.constant 128 : i32
      %mul3A_181 = arith.muli %add3A_162, %mul3A_180 : i32
      %add3A_182 = arith.addi %mul3A_2, %mul3A_181 : i32
      %dma_start3A_183 = arith.constant 0 : i32
      %dma_start3A_184 = arith.constant 0 : i32
      %dma_start3A_185 = arith.constant 0 : i32
      %dma_start3A_186 = tpu.memref_slice %arg6[%dma_start3A_183, %dma_start3A_184, %dma_start3A_185] : memref<8x128x64xf32, #tpu.memory_space<vmem>> -> memref<1x128x64xf32, #tpu.memory_space<vmem>>
      %dma_start3A_187 = tpu.memref_squeeze %dma_start3A_186 : memref<1x128x64xf32, #tpu.memory_space<vmem>> -> memref<128x64xf32, #tpu.memory_space<vmem>>
      %dma_start3A_188 = arith.constant 0 : i32
      %dma_start3A_189 = tpu.memref_slice %arg4[%add3A_182, %dma_start3A_188] : memref<819200x64xf32, #tpu.memory_space<hbm>> -> memref<128x64xf32, #tpu.memory_space<hbm>>
      %dma_start3A_190 = arith.constant 0 : i32
      %dma_start3A_191 = tpu.memref_slice %arg4[%add3A_182, %dma_start3A_190] : memref<819200x64xf32, #tpu.memory_space<hbm>> -> memref<128x64xf32, #tpu.memory_space<hbm>>
      %dma_start3A_192 = arith.constant 0 : i32
      %dma_start3A_193 = arith.constant 0 : i32
      %dma_start3A_194 = tpu.memref_slice %arg6[%dma_start3A_183, %dma_start3A_192, %dma_start3A_193] : memref<8x128x64xf32, #tpu.memory_space<vmem>> -> memref<1x128x64xf32, #tpu.memory_space<vmem>>
      %dma_start3A_195 = tpu.memref_squeeze %dma_start3A_194 : memref<1x128x64xf32, #tpu.memory_space<vmem>> -> memref<128x64xf32, #tpu.memory_space<vmem>>
      tpu.enqueue_dma source(%dma_start3A_195 : memref<128x64xf32, #tpu.memory_space<vmem>>) target(%dma_start3A_191 : memref<128x64xf32, #tpu.memory_space<hbm>>) target_semaphore(%arg15 : memref<!tpu.dma_semaphore, #tpu.memory_space<semaphore_mem>>)
      %mul3A_196 = arith.constant 8 : i32
      %mul3A_197 = arith.muli %scan3A_158, %mul3A_196 : i32
      %add3A_198 = arith.constant 1 : i32
      %add3A_199 = arith.addi %mul3A_197, %add3A_198 : i32
      %add3A_200 = arith.constant 4 : i32
      %add3A_201 = arith.addi %add3A_199, %add3A_200 : i32
      %lt3A_202 = arith.constant 200 : i32
      %lt3A_203 = arith.cmpi slt, %add3A_201, %lt3A_202 : i32
      %convert_element_type3A_204 = arith.extui %lt3A_203 : i1 to i32
      %cond3A_205 = arith.constant 0 : i32
      %cond3A_206 = arith.cmpi ne, %convert_element_type3A_204, %cond3A_205 : i32
      scf.if %cond3A_206 {
        %ge3A = arith.constant 8 : i32
        %ge3A_476 = arith.cmpi sge, %add3A_201, %ge3A : i32
        %convert_element_type3A_477 = arith.extui %ge3A_476 : i1 to i32
        %cond3A_478 = arith.constant 0 : i32
        %cond3A_479 = arith.cmpi ne, %convert_element_type3A_477, %cond3A_478 : i32
        scf.if %cond3A_479 {
          %dma_wait3A_491 = arith.constant 5 : i32
          %dma_wait3A_492 = arith.constant 0 : i32
          %dma_wait3A_493 = arith.constant 0 : i32
          %dma_wait3A_494 = tpu.memref_slice %arg6[%dma_wait3A_491, %dma_wait3A_492, %dma_wait3A_493] : memref<8x128x64xf32, #tpu.memory_space<vmem>> -> memref<1x128x64xf32, #tpu.memory_space<vmem>>
          %dma_wait3A_495 = tpu.memref_squeeze %dma_wait3A_494 : memref<1x128x64xf32, #tpu.memory_space<vmem>> -> memref<128x64xf32, #tpu.memory_space<vmem>>
          %dma_wait3A_496 = arith.constant 0 : i32
          %dma_wait3A_497 = tpu.memref_slice %arg4[%mul3A_2, %dma_wait3A_496] : memref<819200x64xf32, #tpu.memory_space<hbm>> -> memref<128x64xf32, #tpu.memory_space<hbm>>
          %dma_wait3A_498 = arith.constant 0 : i32
          %dma_wait3A_499 = tpu.memref_slice %arg4[%mul3A_2, %dma_wait3A_498] : memref<819200x64xf32, #tpu.memory_space<hbm>> -> memref<128x64xf32, #tpu.memory_space<hbm>>
          %dma_wait3A_500 = arith.constant 0 : i32
          %dma_wait3A_501 = arith.constant 0 : i32
          %dma_wait3A_502 = tpu.memref_slice %arg6[%dma_wait3A_491, %dma_wait3A_500, %dma_wait3A_501] : memref<8x128x64xf32, #tpu.memory_space<vmem>> -> memref<1x128x64xf32, #tpu.memory_space<vmem>>
          %dma_wait3A_503 = tpu.memref_squeeze %dma_wait3A_502 : memref<1x128x64xf32, #tpu.memory_space<vmem>> -> memref<128x64xf32, #tpu.memory_space<vmem>>
          tpu.wait_dma2 semaphore(%arg20 : memref<!tpu.dma_semaphore, #tpu.memory_space<semaphore_mem>>) src(%dma_wait3A_503 : memref<128x64xf32, #tpu.memory_space<vmem>>) dst(%dma_wait3A_499 : memref<128x64xf32, #tpu.memory_space<hbm>>)
        } else {
        }
        %dma_start3A_480 = arith.constant 5 : i32
        %dma_start3A_481 = arith.constant 0 : i32
        %dma_start3A_482 = arith.constant 0 : i32
        %dma_start3A_483 = tpu.memref_slice %arg6[%dma_start3A_480, %dma_start3A_481, %dma_start3A_482] : memref<8x128x64xf32, #tpu.memory_space<vmem>> -> memref<1x128x64xf32, #tpu.memory_space<vmem>>
        %dma_start3A_484 = tpu.memref_squeeze %dma_start3A_483 : memref<1x128x64xf32, #tpu.memory_space<vmem>> -> memref<128x64xf32, #tpu.memory_space<vmem>>
        %dma_start3A_485 = arith.constant 0 : i32
        %dma_start3A_486 = tpu.memref_slice %arg5[%add3A_201, %dma_start3A_485] : memref<200x128xi32, #tpu.memory_space<vmem>> -> memref<1x128xi32, #tpu.memory_space<vmem>>
        %dma_start3A_487 = tpu.memref_squeeze %dma_start3A_486 : memref<1x128xi32, #tpu.memory_space<vmem>> -> memref<128xi32, #tpu.memory_space<vmem>>
        %dma_start3A_488 = arith.constant 0 : i32
        %dma_start3A_489 = arith.constant 0 : i32
        %dma_start3A_490 = tpu.memref_slice %arg3[%dma_start3A_488, %dma_start3A_489] : memref<1000000x64xf32, #tpu.memory_space<hbm>> -> memref<1000000x64xf32, #tpu.memory_space<hbm>>
        tpu.enqueue_indirect_dma source(%dma_start3A_490 : memref<1000000x64xf32, #tpu.memory_space<hbm>>) target(%dma_start3A_484 : memref<128x64xf32, #tpu.memory_space<vmem>>) offsets(%dma_start3A_487 : memref<128xi32, #tpu.memory_space<vmem>>) semaphore(%arg12 : memref<!tpu.dma_semaphore, #tpu.memory_space<semaphore_mem>>)
      } else {
      }
      %dma_wait3A_207 = arith.constant 1 : i32
      %dma_wait3A_208 = arith.constant 0 : i32
      %dma_wait3A_209 = arith.constant 0 : i32
      %dma_wait3A_210 = tpu.memref_slice %arg6[%dma_wait3A_207, %dma_wait3A_208, %dma_wait3A_209] : memref<8x128x64xf32, #tpu.memory_space<vmem>> -> memref<1x128x64xf32, #tpu.memory_space<vmem>>
      %dma_wait3A_211 = tpu.memref_squeeze %dma_wait3A_210 : memref<1x128x64xf32, #tpu.memory_space<vmem>> -> memref<128x64xf32, #tpu.memory_space<vmem>>
      %dma_wait3A_212 = arith.constant 0 : i32
      %dma_wait3A_213 = tpu.memref_slice %arg4[%mul3A_2, %dma_wait3A_212] : memref<819200x64xf32, #tpu.memory_space<hbm>> -> memref<128x64xf32, #tpu.memory_space<hbm>>
      %dma_wait3A_214 = arith.constant 0 : i32
      %dma_wait3A_215 = arith.constant 0 : i32
      %dma_wait3A_216 = tpu.memref_slice %arg6[%dma_wait3A_207, %dma_wait3A_214, %dma_wait3A_215] : memref<8x128x64xf32, #tpu.memory_space<vmem>> -> memref<1x128x64xf32, #tpu.memory_space<vmem>>
      %dma_wait3A_217 = tpu.memref_squeeze %dma_wait3A_216 : memref<1x128x64xf32, #tpu.memory_space<vmem>> -> memref<128x64xf32, #tpu.memory_space<vmem>>
      %dma_wait3A_218 = arith.constant 0 : i32
      %dma_wait3A_219 = tpu.memref_slice %arg4[%mul3A_2, %dma_wait3A_218] : memref<819200x64xf32, #tpu.memory_space<hbm>> -> memref<128x64xf32, #tpu.memory_space<hbm>>
      tpu.wait_dma2 semaphore(%arg8 : memref<!tpu.dma_semaphore, #tpu.memory_space<semaphore_mem>>) src(%dma_wait3A_219 : memref<128x64xf32, #tpu.memory_space<hbm>>) dst(%dma_wait3A_217 : memref<128x64xf32, #tpu.memory_space<vmem>>)
      %mul3A_220 = arith.constant 128 : i32
      %mul3A_221 = arith.muli %add3A_199, %mul3A_220 : i32
      %add3A_222 = arith.addi %mul3A_2, %mul3A_221 : i32
      %dma_start3A_223 = arith.constant 1 : i32
      %dma_start3A_224 = arith.constant 0 : i32
      %dma_start3A_225 = arith.constant 0 : i32
      %dma_start3A_226 = tpu.memref_slice %arg6[%dma_start3A_223, %dma_start3A_224, %dma_start3A_225] : memref<8x128x64xf32, #tpu.memory_space<vmem>> -> memref<1x128x64xf32, #tpu.memory_space<vmem>>
      %dma_start3A_227 = tpu.memref_squeeze %dma_start3A_226 : memref<1x128x64xf32, #tpu.memory_space<vmem>> -> memref<128x64xf32, #tpu.memory_space<vmem>>
      %dma_start3A_228 = arith.constant 0 : i32
      %dma_start3A_229 = tpu.memref_slice %arg4[%add3A_222, %dma_start3A_228] : memref<819200x64xf32, #tpu.memory_space<hbm>> -> memref<128x64xf32, #tpu.memory_space<hbm>>
      %dma_start3A_230 = arith.constant 0 : i32
      %dma_start3A_231 = tpu.memref_slice %arg4[%add3A_222, %dma_start3A_230] : memref<819200x64xf32, #tpu.memory_space<hbm>> -> memref<128x64xf32, #tpu.memory_space<hbm>>
      %dma_start3A_232 = arith.constant 0 : i32
      %dma_start3A_233 = arith.constant 0 : i32
      %dma_start3A_234 = tpu.memref_slice %arg6[%dma_start3A_223, %dma_start3A_232, %dma_start3A_233] : memref<8x128x64xf32, #tpu.memory_space<vmem>> -> memref<1x128x64xf32, #tpu.memory_space<vmem>>
      %dma_start3A_235 = tpu.memref_squeeze %dma_start3A_234 : memref<1x128x64xf32, #tpu.memory_space<vmem>> -> memref<128x64xf32, #tpu.memory_space<vmem>>
      tpu.enqueue_dma source(%dma_start3A_235 : memref<128x64xf32, #tpu.memory_space<vmem>>) target(%dma_start3A_231 : memref<128x64xf32, #tpu.memory_space<hbm>>) target_semaphore(%arg16 : memref<!tpu.dma_semaphore, #tpu.memory_space<semaphore_mem>>)
      %mul3A_236 = arith.constant 8 : i32
      %mul3A_237 = arith.muli %scan3A_158, %mul3A_236 : i32
      %add3A_238 = arith.constant 2 : i32
      %add3A_239 = arith.addi %mul3A_237, %add3A_238 : i32
      %add3A_240 = arith.constant 4 : i32
      %add3A_241 = arith.addi %add3A_239, %add3A_240 : i32
      %lt3A_242 = arith.constant 200 : i32
      %lt3A_243 = arith.cmpi slt, %add3A_241, %lt3A_242 : i32
      %convert_element_type3A_244 = arith.extui %lt3A_243 : i1 to i32
      %cond3A_245 = arith.constant 0 : i32
      %cond3A_246 = arith.cmpi ne, %convert_element_type3A_244, %cond3A_245 : i32
      scf.if %cond3A_246 {
        %ge3A = arith.constant 8 : i32
        %ge3A_476 = arith.cmpi sge, %add3A_241, %ge3A : i32
        %convert_element_type3A_477 = arith.extui %ge3A_476 : i1 to i32
        %cond3A_478 = arith.constant 0 : i32
        %cond3A_479 = arith.cmpi ne, %convert_element_type3A_477, %cond3A_478 : i32
        scf.if %cond3A_479 {
          %dma_wait3A_491 = arith.constant 6 : i32
          %dma_wait3A_492 = arith.constant 0 : i32
          %dma_wait3A_493 = arith.constant 0 : i32
          %dma_wait3A_494 = tpu.memref_slice %arg6[%dma_wait3A_491, %dma_wait3A_492, %dma_wait3A_493] : memref<8x128x64xf32, #tpu.memory_space<vmem>> -> memref<1x128x64xf32, #tpu.memory_space<vmem>>
          %dma_wait3A_495 = tpu.memref_squeeze %dma_wait3A_494 : memref<1x128x64xf32, #tpu.memory_space<vmem>> -> memref<128x64xf32, #tpu.memory_space<vmem>>
          %dma_wait3A_496 = arith.constant 0 : i32
          %dma_wait3A_497 = tpu.memref_slice %arg4[%mul3A_2, %dma_wait3A_496] : memref<819200x64xf32, #tpu.memory_space<hbm>> -> memref<128x64xf32, #tpu.memory_space<hbm>>
          %dma_wait3A_498 = arith.constant 0 : i32
          %dma_wait3A_499 = tpu.memref_slice %arg4[%mul3A_2, %dma_wait3A_498] : memref<819200x64xf32, #tpu.memory_space<hbm>> -> memref<128x64xf32, #tpu.memory_space<hbm>>
          %dma_wait3A_500 = arith.constant 0 : i32
          %dma_wait3A_501 = arith.constant 0 : i32
          %dma_wait3A_502 = tpu.memref_slice %arg6[%dma_wait3A_491, %dma_wait3A_500, %dma_wait3A_501] : memref<8x128x64xf32, #tpu.memory_space<vmem>> -> memref<1x128x64xf32, #tpu.memory_space<vmem>>
          %dma_wait3A_503 = tpu.memref_squeeze %dma_wait3A_502 : memref<1x128x64xf32, #tpu.memory_space<vmem>> -> memref<128x64xf32, #tpu.memory_space<vmem>>
          tpu.wait_dma2 semaphore(%arg21 : memref<!tpu.dma_semaphore, #tpu.memory_space<semaphore_mem>>) src(%dma_wait3A_503 : memref<128x64xf32, #tpu.memory_space<vmem>>) dst(%dma_wait3A_499 : memref<128x64xf32, #tpu.memory_space<hbm>>)
        } else {
        }
        %dma_start3A_480 = arith.constant 6 : i32
        %dma_start3A_481 = arith.constant 0 : i32
        %dma_start3A_482 = arith.constant 0 : i32
        %dma_start3A_483 = tpu.memref_slice %arg6[%dma_start3A_480, %dma_start3A_481, %dma_start3A_482] : memref<8x128x64xf32, #tpu.memory_space<vmem>> -> memref<1x128x64xf32, #tpu.memory_space<vmem>>
        %dma_start3A_484 = tpu.memref_squeeze %dma_start3A_483 : memref<1x128x64xf32, #tpu.memory_space<vmem>> -> memref<128x64xf32, #tpu.memory_space<vmem>>
        %dma_start3A_485 = arith.constant 0 : i32
        %dma_start3A_486 = tpu.memref_slice %arg5[%add3A_241, %dma_start3A_485] : memref<200x128xi32, #tpu.memory_space<vmem>> -> memref<1x128xi32, #tpu.memory_space<vmem>>
        %dma_start3A_487 = tpu.memref_squeeze %dma_start3A_486 : memref<1x128xi32, #tpu.memory_space<vmem>> -> memref<128xi32, #tpu.memory_space<vmem>>
        %dma_start3A_488 = arith.constant 0 : i32
        %dma_start3A_489 = arith.constant 0 : i32
        %dma_start3A_490 = tpu.memref_slice %arg3[%dma_start3A_488, %dma_start3A_489] : memref<1000000x64xf32, #tpu.memory_space<hbm>> -> memref<1000000x64xf32, #tpu.memory_space<hbm>>
        tpu.enqueue_indirect_dma source(%dma_start3A_490 : memref<1000000x64xf32, #tpu.memory_space<hbm>>) target(%dma_start3A_484 : memref<128x64xf32, #tpu.memory_space<vmem>>) offsets(%dma_start3A_487 : memref<128xi32, #tpu.memory_space<vmem>>) semaphore(%arg13 : memref<!tpu.dma_semaphore, #tpu.memory_space<semaphore_mem>>)
      } else {
      }
      %dma_wait3A_247 = arith.constant 2 : i32
      %dma_wait3A_248 = arith.constant 0 : i32
      %dma_wait3A_249 = arith.constant 0 : i32
      %dma_wait3A_250 = tpu.memref_slice %arg6[%dma_wait3A_247, %dma_wait3A_248, %dma_wait3A_249] : memref<8x128x64xf32, #tpu.memory_space<vmem>> -> memref<1x128x64xf32, #tpu.memory_space<vmem>>
      %dma_wait3A_251 = tpu.memref_squeeze %dma_wait3A_250 : memref<1x128x64xf32, #tpu.memory_space<vmem>> -> memref<128x64xf32, #tpu.memory_space<vmem>>
      %dma_wait3A_252 = arith.constant 0 : i32
      %dma_wait3A_253 = tpu.memref_slice %arg4[%mul3A_2, %dma_wait3A_252] : memref<819200x64xf32, #tpu.memory_space<hbm>> -> memref<128x64xf32, #tpu.memory_space<hbm>>
      %dma_wait3A_254 = arith.constant 0 : i32
      %dma_wait3A_255 = arith.constant 0 : i32
      %dma_wait3A_256 = tpu.memref_slice %arg6[%dma_wait3A_247, %dma_wait3A_254, %dma_wait3A_255] : memref<8x128x64xf32, #tpu.memory_space<vmem>> -> memref<1x128x64xf32, #tpu.memory_space<vmem>>
      %dma_wait3A_257 = tpu.memref_squeeze %dma_wait3A_256 : memref<1x128x64xf32, #tpu.memory_space<vmem>> -> memref<128x64xf32, #tpu.memory_space<vmem>>
      %dma_wait3A_258 = arith.constant 0 : i32
      %dma_wait3A_259 = tpu.memref_slice %arg4[%mul3A_2, %dma_wait3A_258] : memref<819200x64xf32, #tpu.memory_space<hbm>> -> memref<128x64xf32, #tpu.memory_space<hbm>>
      tpu.wait_dma2 semaphore(%arg9 : memref<!tpu.dma_semaphore, #tpu.memory_space<semaphore_mem>>) src(%dma_wait3A_259 : memref<128x64xf32, #tpu.memory_space<hbm>>) dst(%dma_wait3A_257 : memref<128x64xf32, #tpu.memory_space<vmem>>)
      %mul3A_260 = arith.constant 128 : i32
      %mul3A_261 = arith.muli %add3A_239, %mul3A_260 : i32
      %add3A_262 = arith.addi %mul3A_2, %mul3A_261 : i32
      %dma_start3A_263 = arith.constant 2 : i32
      %dma_start3A_264 = arith.constant 0 : i32
      %dma_start3A_265 = arith.constant 0 : i32
      %dma_start3A_266 = tpu.memref_slice %arg6[%dma_start3A_263, %dma_start3A_264, %dma_start3A_265] : memref<8x128x64xf32, #tpu.memory_space<vmem>> -> memref<1x128x64xf32, #tpu.memory_space<vmem>>
      %dma_start3A_267 = tpu.memref_squeeze %dma_start3A_266 : memref<1x128x64xf32, #tpu.memory_space<vmem>> -> memref<128x64xf32, #tpu.memory_space<vmem>>
      %dma_start3A_268 = arith.constant 0 : i32
      %dma_start3A_269 = tpu.memref_slice %arg4[%add3A_262, %dma_start3A_268] : memref<819200x64xf32, #tpu.memory_space<hbm>> -> memref<128x64xf32, #tpu.memory_space<hbm>>
      %dma_start3A_270 = arith.constant 0 : i32
      %dma_start3A_271 = tpu.memref_slice %arg4[%add3A_262, %dma_start3A_270] : memref<819200x64xf32, #tpu.memory_space<hbm>> -> memref<128x64xf32, #tpu.memory_space<hbm>>
      %dma_start3A_272 = arith.constant 0 : i32
      %dma_start3A_273 = arith.constant 0 : i32
      %dma_start3A_274 = tpu.memref_slice %arg6[%dma_start3A_263, %dma_start3A_272, %dma_start3A_273] : memref<8x128x64xf32, #tpu.memory_space<vmem>> -> memref<1x128x64xf32, #tpu.memory_space<vmem>>
      %dma_start3A_275 = tpu.memref_squeeze %dma_start3A_274 : memref<1x128x64xf32, #tpu.memory_space<vmem>> -> memref<128x64xf32, #tpu.memory_space<vmem>>
      tpu.enqueue_dma source(%dma_start3A_275 : memref<128x64xf32, #tpu.memory_space<vmem>>) target(%dma_start3A_271 : memref<128x64xf32, #tpu.memory_space<hbm>>) target_semaphore(%arg17 : memref<!tpu.dma_semaphore, #tpu.memory_space<semaphore_mem>>)
      %mul3A_276 = arith.constant 8 : i32
      %mul3A_277 = arith.muli %scan3A_158, %mul3A_276 : i32
      %add3A_278 = arith.constant 3 : i32
      %add3A_279 = arith.addi %mul3A_277, %add3A_278 : i32
      %add3A_280 = arith.constant 4 : i32
      %add3A_281 = arith.addi %add3A_279, %add3A_280 : i32
      %lt3A_282 = arith.constant 200 : i32
      %lt3A_283 = arith.cmpi slt, %add3A_281, %lt3A_282 : i32
      %convert_element_type3A_284 = arith.extui %lt3A_283 : i1 to i32
      %cond3A_285 = arith.constant 0 : i32
      %cond3A_286 = arith.cmpi ne, %convert_element_type3A_284, %cond3A_285 : i32
      scf.if %cond3A_286 {
        %ge3A = arith.constant 8 : i32
        %ge3A_476 = arith.cmpi sge, %add3A_281, %ge3A : i32
        %convert_element_type3A_477 = arith.extui %ge3A_476 : i1 to i32
        %cond3A_478 = arith.constant 0 : i32
        %cond3A_479 = arith.cmpi ne, %convert_element_type3A_477, %cond3A_478 : i32
        scf.if %cond3A_479 {
          %dma_wait3A_491 = arith.constant 7 : i32
          %dma_wait3A_492 = arith.constant 0 : i32
          %dma_wait3A_493 = arith.constant 0 : i32
          %dma_wait3A_494 = tpu.memref_slice %arg6[%dma_wait3A_491, %dma_wait3A_492, %dma_wait3A_493] : memref<8x128x64xf32, #tpu.memory_space<vmem>> -> memref<1x128x64xf32, #tpu.memory_space<vmem>>
          %dma_wait3A_495 = tpu.memref_squeeze %dma_wait3A_494 : memref<1x128x64xf32, #tpu.memory_space<vmem>> -> memref<128x64xf32, #tpu.memory_space<vmem>>
          %dma_wait3A_496 = arith.constant 0 : i32
          %dma_wait3A_497 = tpu.memref_slice %arg4[%mul3A_2, %dma_wait3A_496] : memref<819200x64xf32, #tpu.memory_space<hbm>> -> memref<128x64xf32, #tpu.memory_space<hbm>>
          %dma_wait3A_498 = arith.constant 0 : i32
          %dma_wait3A_499 = tpu.memref_slice %arg4[%mul3A_2, %dma_wait3A_498] : memref<819200x64xf32, #tpu.memory_space<hbm>> -> memref<128x64xf32, #tpu.memory_space<hbm>>
          %dma_wait3A_500 = arith.constant 0 : i32
          %dma_wait3A_501 = arith.constant 0 : i32
          %dma_wait3A_502 = tpu.memref_slice %arg6[%dma_wait3A_491, %dma_wait3A_500, %dma_wait3A_501] : memref<8x128x64xf32, #tpu.memory_space<vmem>> -> memref<1x128x64xf32, #tpu.memory_space<vmem>>
          %dma_wait3A_503 = tpu.memref_squeeze %dma_wait3A_502 : memref<1x128x64xf32, #tpu.memory_space<vmem>> -> memref<128x64xf32, #tpu.memory_space<vmem>>
          tpu.wait_dma2 semaphore(%arg22 : memref<!tpu.dma_semaphore, #tpu.memory_space<semaphore_mem>>) src(%dma_wait3A_503 : memref<128x64xf32, #tpu.memory_space<vmem>>) dst(%dma_wait3A_499 : memref<128x64xf32, #tpu.memory_space<hbm>>)
        } else {
        }
        %dma_start3A_480 = arith.constant 7 : i32
        %dma_start3A_481 = arith.constant 0 : i32
        %dma_start3A_482 = arith.constant 0 : i32
        %dma_start3A_483 = tpu.memref_slice %arg6[%dma_start3A_480, %dma_start3A_481, %dma_start3A_482] : memref<8x128x64xf32, #tpu.memory_space<vmem>> -> memref<1x128x64xf32, #tpu.memory_space<vmem>>
        %dma_start3A_484 = tpu.memref_squeeze %dma_start3A_483 : memref<1x128x64xf32, #tpu.memory_space<vmem>> -> memref<128x64xf32, #tpu.memory_space<vmem>>
        %dma_start3A_485 = arith.constant 0 : i32
        %dma_start3A_486 = tpu.memref_slice %arg5[%add3A_281, %dma_start3A_485] : memref<200x128xi32, #tpu.memory_space<vmem>> -> memref<1x128xi32, #tpu.memory_space<vmem>>
        %dma_start3A_487 = tpu.memref_squeeze %dma_start3A_486 : memref<1x128xi32, #tpu.memory_space<vmem>> -> memref<128xi32, #tpu.memory_space<vmem>>
        %dma_start3A_488 = arith.constant 0 : i32
        %dma_start3A_489 = arith.constant 0 : i32
        %dma_start3A_490 = tpu.memref_slice %arg3[%dma_start3A_488, %dma_start3A_489] : memref<1000000x64xf32, #tpu.memory_space<hbm>> -> memref<1000000x64xf32, #tpu.memory_space<hbm>>
        tpu.enqueue_indirect_dma source(%dma_start3A_490 : memref<1000000x64xf32, #tpu.memory_space<hbm>>) target(%dma_start3A_484 : memref<128x64xf32, #tpu.memory_space<vmem>>) offsets(%dma_start3A_487 : memref<128xi32, #tpu.memory_space<vmem>>) semaphore(%arg14 : memref<!tpu.dma_semaphore, #tpu.memory_space<semaphore_mem>>)
      } else {
      }
      %dma_wait3A_287 = arith.constant 3 : i32
      %dma_wait3A_288 = arith.constant 0 : i32
      %dma_wait3A_289 = arith.constant 0 : i32
      %dma_wait3A_290 = tpu.memref_slice %arg6[%dma_wait3A_287, %dma_wait3A_288, %dma_wait3A_289] : memref<8x128x64xf32, #tpu.memory_space<vmem>> -> memref<1x128x64xf32, #tpu.memory_space<vmem>>
      %dma_wait3A_291 = tpu.memref_squeeze %dma_wait3A_290 : memref<1x128x64xf32, #tpu.memory_space<vmem>> -> memref<128x64xf32, #tpu.memory_space<vmem>>
      %dma_wait3A_292 = arith.constant 0 : i32
      %dma_wait3A_293 = tpu.memref_slice %arg4[%mul3A_2, %dma_wait3A_292] : memref<819200x64xf32, #tpu.memory_space<hbm>> -> memref<128x64xf32, #tpu.memory_space<hbm>>
      %dma_wait3A_294 = arith.constant 0 : i32
      %dma_wait3A_295 = arith.constant 0 : i32
      %dma_wait3A_296 = tpu.memref_slice %arg6[%dma_wait3A_287, %dma_wait3A_294, %dma_wait3A_295] : memref<8x128x64xf32, #tpu.memory_space<vmem>> -> memref<1x128x64xf32, #tpu.memory_space<vmem>>
      %dma_wait3A_297 = tpu.memref_squeeze %dma_wait3A_296 : memref<1x128x64xf32, #tpu.memory_space<vmem>> -> memref<128x64xf32, #tpu.memory_space<vmem>>
      %dma_wait3A_298 = arith.constant 0 : i32
      %dma_wait3A_299 = tpu.memref_slice %arg4[%mul3A_2, %dma_wait3A_298] : memref<819200x64xf32, #tpu.memory_space<hbm>> -> memref<128x64xf32, #tpu.memory_space<hbm>>
      tpu.wait_dma2 semaphore(%arg10 : memref<!tpu.dma_semaphore, #tpu.memory_space<semaphore_mem>>) src(%dma_wait3A_299 : memref<128x64xf32, #tpu.memory_space<hbm>>) dst(%dma_wait3A_297 : memref<128x64xf32, #tpu.memory_space<vmem>>)
      %mul3A_300 = arith.constant 128 : i32
      %mul3A_301 = arith.muli %add3A_279, %mul3A_300 : i32
      %add3A_302 = arith.addi %mul3A_2, %mul3A_301 : i32
      %dma_start3A_303 = arith.constant 3 : i32
      %dma_start3A_304 = arith.constant 0 : i32
      %dma_start3A_305 = arith.constant 0 : i32
      %dma_start3A_306 = tpu.memref_slice %arg6[%dma_start3A_303, %dma_start3A_304, %dma_start3A_305] : memref<8x128x64xf32, #tpu.memory_space<vmem>> -> memref<1x128x64xf32, #tpu.memory_space<vmem>>
      %dma_start3A_307 = tpu.memref_squeeze %dma_start3A_306 : memref<1x128x64xf32, #tpu.memory_space<vmem>> -> memref<128x64xf32, #tpu.memory_space<vmem>>
      %dma_start3A_308 = arith.constant 0 : i32
      %dma_start3A_309 = tpu.memref_slice %arg4[%add3A_302, %dma_start3A_308] : memref<819200x64xf32, #tpu.memory_space<hbm>> -> memref<128x64xf32, #tpu.memory_space<hbm>>
      %dma_start3A_310 = arith.constant 0 : i32
      %dma_start3A_311 = tpu.memref_slice %arg4[%add3A_302, %dma_start3A_310] : memref<819200x64xf32, #tpu.memory_space<hbm>> -> memref<128x64xf32, #tpu.memory_space<hbm>>
      %dma_start3A_312 = arith.constant 0 : i32
      %dma_start3A_313 = arith.constant 0 : i32
      %dma_start3A_314 = tpu.memref_slice %arg6[%dma_start3A_303, %dma_start3A_312, %dma_start3A_313] : memref<8x128x64xf32, #tpu.memory_space<vmem>> -> memref<1x128x64xf32, #tpu.memory_space<vmem>>
      %dma_start3A_315 = tpu.memref_squeeze %dma_start3A_314 : memref<1x128x64xf32, #tpu.memory_space<vmem>> -> memref<128x64xf32, #tpu.memory_space<vmem>>
      tpu.enqueue_dma source(%dma_start3A_315 : memref<128x64xf32, #tpu.memory_space<vmem>>) target(%dma_start3A_311 : memref<128x64xf32, #tpu.memory_space<hbm>>) target_semaphore(%arg18 : memref<!tpu.dma_semaphore, #tpu.memory_space<semaphore_mem>>)
      %mul3A_316 = arith.constant 8 : i32
      %mul3A_317 = arith.muli %scan3A_158, %mul3A_316 : i32
      %add3A_318 = arith.constant 4 : i32
      %add3A_319 = arith.addi %mul3A_317, %add3A_318 : i32
      %add3A_320 = arith.constant 4 : i32
      %add3A_321 = arith.addi %add3A_319, %add3A_320 : i32
      %lt3A_322 = arith.constant 200 : i32
      %lt3A_323 = arith.cmpi slt, %add3A_321, %lt3A_322 : i32
      %convert_element_type3A_324 = arith.extui %lt3A_323 : i1 to i32
      %cond3A_325 = arith.constant 0 : i32
      %cond3A_326 = arith.cmpi ne, %convert_element_type3A_324, %cond3A_325 : i32
      scf.if %cond3A_326 {
        %ge3A = arith.constant 8 : i32
        %ge3A_476 = arith.cmpi sge, %add3A_321, %ge3A : i32
        %convert_element_type3A_477 = arith.extui %ge3A_476 : i1 to i32
        %cond3A_478 = arith.constant 0 : i32
        %cond3A_479 = arith.cmpi ne, %convert_element_type3A_477, %cond3A_478 : i32
        scf.if %cond3A_479 {
          %dma_wait3A_491 = arith.constant 0 : i32
          %dma_wait3A_492 = arith.constant 0 : i32
          %dma_wait3A_493 = arith.constant 0 : i32
          %dma_wait3A_494 = tpu.memref_slice %arg6[%dma_wait3A_491, %dma_wait3A_492, %dma_wait3A_493] : memref<8x128x64xf32, #tpu.memory_space<vmem>> -> memref<1x128x64xf32, #tpu.memory_space<vmem>>
          %dma_wait3A_495 = tpu.memref_squeeze %dma_wait3A_494 : memref<1x128x64xf32, #tpu.memory_space<vmem>> -> memref<128x64xf32, #tpu.memory_space<vmem>>
          %dma_wait3A_496 = arith.constant 0 : i32
          %dma_wait3A_497 = tpu.memref_slice %arg4[%mul3A_2, %dma_wait3A_496] : memref<819200x64xf32, #tpu.memory_space<hbm>> -> memref<128x64xf32, #tpu.memory_space<hbm>>
          %dma_wait3A_498 = arith.constant 0 : i32
          %dma_wait3A_499 = tpu.memref_slice %arg4[%mul3A_2, %dma_wait3A_498] : memref<819200x64xf32, #tpu.memory_space<hbm>> -> memref<128x64xf32, #tpu.memory_space<hbm>>
          %dma_wait3A_500 = arith.constant 0 : i32
          %dma_wait3A_501 = arith.constant 0 : i32
          %dma_wait3A_502 = tpu.memref_slice %arg6[%dma_wait3A_491, %dma_wait3A_500, %dma_wait3A_501] : memref<8x128x64xf32, #tpu.memory_space<vmem>> -> memref<1x128x64xf32, #tpu.memory_space<vmem>>
          %dma_wait3A_503 = tpu.memref_squeeze %dma_wait3A_502 : memref<1x128x64xf32, #tpu.memory_space<vmem>> -> memref<128x64xf32, #tpu.memory_space<vmem>>
          tpu.wait_dma2 semaphore(%arg15 : memref<!tpu.dma_semaphore, #tpu.memory_space<semaphore_mem>>) src(%dma_wait3A_503 : memref<128x64xf32, #tpu.memory_space<vmem>>) dst(%dma_wait3A_499 : memref<128x64xf32, #tpu.memory_space<hbm>>)
        } else {
        }
        %dma_start3A_480 = arith.constant 0 : i32
        %dma_start3A_481 = arith.constant 0 : i32
        %dma_start3A_482 = arith.constant 0 : i32
        %dma_start3A_483 = tpu.memref_slice %arg6[%dma_start3A_480, %dma_start3A_481, %dma_start3A_482] : memref<8x128x64xf32, #tpu.memory_space<vmem>> -> memref<1x128x64xf32, #tpu.memory_space<vmem>>
        %dma_start3A_484 = tpu.memref_squeeze %dma_start3A_483 : memref<1x128x64xf32, #tpu.memory_space<vmem>> -> memref<128x64xf32, #tpu.memory_space<vmem>>
        %dma_start3A_485 = arith.constant 0 : i32
        %dma_start3A_486 = tpu.memref_slice %arg5[%add3A_321, %dma_start3A_485] : memref<200x128xi32, #tpu.memory_space<vmem>> -> memref<1x128xi32, #tpu.memory_space<vmem>>
        %dma_start3A_487 = tpu.memref_squeeze %dma_start3A_486 : memref<1x128xi32, #tpu.memory_space<vmem>> -> memref<128xi32, #tpu.memory_space<vmem>>
        %dma_start3A_488 = arith.constant 0 : i32
        %dma_start3A_489 = arith.constant 0 : i32
        %dma_start3A_490 = tpu.memref_slice %arg3[%dma_start3A_488, %dma_start3A_489] : memref<1000000x64xf32, #tpu.memory_space<hbm>> -> memref<1000000x64xf32, #tpu.memory_space<hbm>>
        tpu.enqueue_indirect_dma source(%dma_start3A_490 : memref<1000000x64xf32, #tpu.memory_space<hbm>>) target(%dma_start3A_484 : memref<128x64xf32, #tpu.memory_space<vmem>>) offsets(%dma_start3A_487 : memref<128xi32, #tpu.memory_space<vmem>>) semaphore(%arg7 : memref<!tpu.dma_semaphore, #tpu.memory_space<semaphore_mem>>)
      } else {
      }
      %dma_wait3A_327 = arith.constant 4 : i32
      %dma_wait3A_328 = arith.constant 0 : i32
      %dma_wait3A_329 = arith.constant 0 : i32
      %dma_wait3A_330 = tpu.memref_slice %arg6[%dma_wait3A_327, %dma_wait3A_328, %dma_wait3A_329] : memref<8x128x64xf32, #tpu.memory_space<vmem>> -> memref<1x128x64xf32, #tpu.memory_space<vmem>>
      %dma_wait3A_331 = tpu.memref_squeeze %dma_wait3A_330 : memref<1x128x64xf32, #tpu.memory_space<vmem>> -> memref<128x64xf32, #tpu.memory_space<vmem>>
      %dma_wait3A_332 = arith.constant 0 : i32
      %dma_wait3A_333 = tpu.memref_slice %arg4[%mul3A_2, %dma_wait3A_332] : memref<819200x64xf32, #tpu.memory_space<hbm>> -> memref<128x64xf32, #tpu.memory_space<hbm>>
      %dma_wait3A_334 = arith.constant 0 : i32
      %dma_wait3A_335 = arith.constant 0 : i32
      %dma_wait3A_336 = tpu.memref_slice %arg6[%dma_wait3A_327, %dma_wait3A_334, %dma_wait3A_335] : memref<8x128x64xf32, #tpu.memory_space<vmem>> -> memref<1x128x64xf32, #tpu.memory_space<vmem>>
      %dma_wait3A_337 = tpu.memref_squeeze %dma_wait3A_336 : memref<1x128x64xf32, #tpu.memory_space<vmem>> -> memref<128x64xf32, #tpu.memory_space<vmem>>
      %dma_wait3A_338 = arith.constant 0 : i32
      %dma_wait3A_339 = tpu.memref_slice %arg4[%mul3A_2, %dma_wait3A_338] : memref<819200x64xf32, #tpu.memory_space<hbm>> -> memref<128x64xf32, #tpu.memory_space<hbm>>
      tpu.wait_dma2 semaphore(%arg11 : memref<!tpu.dma_semaphore, #tpu.memory_space<semaphore_mem>>) src(%dma_wait3A_339 : memref<128x64xf32, #tpu.memory_space<hbm>>) dst(%dma_wait3A_337 : memref<128x64xf32, #tpu.memory_space<vmem>>)
      %mul3A_340 = arith.constant 128 : i32
      %mul3A_341 = arith.muli %add3A_319, %mul3A_340 : i32
      %add3A_342 = arith.addi %mul3A_2, %mul3A_341 : i32
      %dma_start3A_343 = arith.constant 4 : i32
      %dma_start3A_344 = arith.constant 0 : i32
      %dma_start3A_345 = arith.constant 0 : i32
      %dma_start3A_346 = tpu.memref_slice %arg6[%dma_start3A_343, %dma_start3A_344, %dma_start3A_345] : memref<8x128x64xf32, #tpu.memory_space<vmem>> -> memref<1x128x64xf32, #tpu.memory_space<vmem>>
      %dma_start3A_347 = tpu.memref_squeeze %dma_start3A_346 : memref<1x128x64xf32, #tpu.memory_space<vmem>> -> memref<128x64xf32, #tpu.memory_space<vmem>>
      %dma_start3A_348 = arith.constant 0 : i32
      %dma_start3A_349 = tpu.memref_slice %arg4[%add3A_342, %dma_start3A_348] : memref<819200x64xf32, #tpu.memory_space<hbm>> -> memref<128x64xf32, #tpu.memory_space<hbm>>
      %dma_start3A_350 = arith.constant 0 : i32
      %dma_start3A_351 = tpu.memref_slice %arg4[%add3A_342, %dma_start3A_350] : memref<819200x64xf32, #tpu.memory_space<hbm>> -> memref<128x64xf32, #tpu.memory_space<hbm>>
      %dma_start3A_352 = arith.constant 0 : i32
      %dma_start3A_353 = arith.constant 0 : i32
      %dma_start3A_354 = tpu.memref_slice %arg6[%dma_start3A_343, %dma_start3A_352, %dma_start3A_353] : memref<8x128x64xf32, #tpu.memory_space<vmem>> -> memref<1x128x64xf32, #tpu.memory_space<vmem>>
      %dma_start3A_355 = tpu.memref_squeeze %dma_start3A_354 : memref<1x128x64xf32, #tpu.memory_space<vmem>> -> memref<128x64xf32, #tpu.memory_space<vmem>>
      tpu.enqueue_dma source(%dma_start3A_355 : memref<128x64xf32, #tpu.memory_space<vmem>>) target(%dma_start3A_351 : memref<128x64xf32, #tpu.memory_space<hbm>>) target_semaphore(%arg19 : memref<!tpu.dma_semaphore, #tpu.memory_space<semaphore_mem>>)
      %mul3A_356 = arith.constant 8 : i32
      %mul3A_357 = arith.muli %scan3A_158, %mul3A_356 : i32
      %add3A_358 = arith.constant 5 : i32
      %add3A_359 = arith.addi %mul3A_357, %add3A_358 : i32
      %add3A_360 = arith.constant 4 : i32
      %add3A_361 = arith.addi %add3A_359, %add3A_360 : i32
      %lt3A_362 = arith.constant 200 : i32
      %lt3A_363 = arith.cmpi slt, %add3A_361, %lt3A_362 : i32
      %convert_element_type3A_364 = arith.extui %lt3A_363 : i1 to i32
      %cond3A_365 = arith.constant 0 : i32
      %cond3A_366 = arith.cmpi ne, %convert_element_type3A_364, %cond3A_365 : i32
      scf.if %cond3A_366 {
        %ge3A = arith.constant 8 : i32
        %ge3A_476 = arith.cmpi sge, %add3A_361, %ge3A : i32
        %convert_element_type3A_477 = arith.extui %ge3A_476 : i1 to i32
        %cond3A_478 = arith.constant 0 : i32
        %cond3A_479 = arith.cmpi ne, %convert_element_type3A_477, %cond3A_478 : i32
        scf.if %cond3A_479 {
          %dma_wait3A_491 = arith.constant 1 : i32
          %dma_wait3A_492 = arith.constant 0 : i32
          %dma_wait3A_493 = arith.constant 0 : i32
          %dma_wait3A_494 = tpu.memref_slice %arg6[%dma_wait3A_491, %dma_wait3A_492, %dma_wait3A_493] : memref<8x128x64xf32, #tpu.memory_space<vmem>> -> memref<1x128x64xf32, #tpu.memory_space<vmem>>
          %dma_wait3A_495 = tpu.memref_squeeze %dma_wait3A_494 : memref<1x128x64xf32, #tpu.memory_space<vmem>> -> memref<128x64xf32, #tpu.memory_space<vmem>>
          %dma_wait3A_496 = arith.constant 0 : i32
          %dma_wait3A_497 = tpu.memref_slice %arg4[%mul3A_2, %dma_wait3A_496] : memref<819200x64xf32, #tpu.memory_space<hbm>> -> memref<128x64xf32, #tpu.memory_space<hbm>>
          %dma_wait3A_498 = arith.constant 0 : i32
          %dma_wait3A_499 = tpu.memref_slice %arg4[%mul3A_2, %dma_wait3A_498] : memref<819200x64xf32, #tpu.memory_space<hbm>> -> memref<128x64xf32, #tpu.memory_space<hbm>>
          %dma_wait3A_500 = arith.constant 0 : i32
          %dma_wait3A_501 = arith.constant 0 : i32
          %dma_wait3A_502 = tpu.memref_slice %arg6[%dma_wait3A_491, %dma_wait3A_500, %dma_wait3A_501] : memref<8x128x64xf32, #tpu.memory_space<vmem>> -> memref<1x128x64xf32, #tpu.memory_space<vmem>>
          %dma_wait3A_503 = tpu.memref_squeeze %dma_wait3A_502 : memref<1x128x64xf32, #tpu.memory_space<vmem>> -> memref<128x64xf32, #tpu.memory_space<vmem>>
          tpu.wait_dma2 semaphore(%arg16 : memref<!tpu.dma_semaphore, #tpu.memory_space<semaphore_mem>>) src(%dma_wait3A_503 : memref<128x64xf32, #tpu.memory_space<vmem>>) dst(%dma_wait3A_499 : memref<128x64xf32, #tpu.memory_space<hbm>>)
        } else {
        }
        %dma_start3A_480 = arith.constant 1 : i32
        %dma_start3A_481 = arith.constant 0 : i32
        %dma_start3A_482 = arith.constant 0 : i32
        %dma_start3A_483 = tpu.memref_slice %arg6[%dma_start3A_480, %dma_start3A_481, %dma_start3A_482] : memref<8x128x64xf32, #tpu.memory_space<vmem>> -> memref<1x128x64xf32, #tpu.memory_space<vmem>>
        %dma_start3A_484 = tpu.memref_squeeze %dma_start3A_483 : memref<1x128x64xf32, #tpu.memory_space<vmem>> -> memref<128x64xf32, #tpu.memory_space<vmem>>
        %dma_start3A_485 = arith.constant 0 : i32
        %dma_start3A_486 = tpu.memref_slice %arg5[%add3A_361, %dma_start3A_485] : memref<200x128xi32, #tpu.memory_space<vmem>> -> memref<1x128xi32, #tpu.memory_space<vmem>>
        %dma_start3A_487 = tpu.memref_squeeze %dma_start3A_486 : memref<1x128xi32, #tpu.memory_space<vmem>> -> memref<128xi32, #tpu.memory_space<vmem>>
        %dma_start3A_488 = arith.constant 0 : i32
        %dma_start3A_489 = arith.constant 0 : i32
        %dma_start3A_490 = tpu.memref_slice %arg3[%dma_start3A_488, %dma_start3A_489] : memref<1000000x64xf32, #tpu.memory_space<hbm>> -> memref<1000000x64xf32, #tpu.memory_space<hbm>>
        tpu.enqueue_indirect_dma source(%dma_start3A_490 : memref<1000000x64xf32, #tpu.memory_space<hbm>>) target(%dma_start3A_484 : memref<128x64xf32, #tpu.memory_space<vmem>>) offsets(%dma_start3A_487 : memref<128xi32, #tpu.memory_space<vmem>>) semaphore(%arg8 : memref<!tpu.dma_semaphore, #tpu.memory_space<semaphore_mem>>)
      } else {
      }
      %dma_wait3A_367 = arith.constant 5 : i32
      %dma_wait3A_368 = arith.constant 0 : i32
      %dma_wait3A_369 = arith.constant 0 : i32
      %dma_wait3A_370 = tpu.memref_slice %arg6[%dma_wait3A_367, %dma_wait3A_368, %dma_wait3A_369] : memref<8x128x64xf32, #tpu.memory_space<vmem>> -> memref<1x128x64xf32, #tpu.memory_space<vmem>>
      %dma_wait3A_371 = tpu.memref_squeeze %dma_wait3A_370 : memref<1x128x64xf32, #tpu.memory_space<vmem>> -> memref<128x64xf32, #tpu.memory_space<vmem>>
      %dma_wait3A_372 = arith.constant 0 : i32
      %dma_wait3A_373 = tpu.memref_slice %arg4[%mul3A_2, %dma_wait3A_372] : memref<819200x64xf32, #tpu.memory_space<hbm>> -> memref<128x64xf32, #tpu.memory_space<hbm>>
      %dma_wait3A_374 = arith.constant 0 : i32
      %dma_wait3A_375 = arith.constant 0 : i32
      %dma_wait3A_376 = tpu.memref_slice %arg6[%dma_wait3A_367, %dma_wait3A_374, %dma_wait3A_375] : memref<8x128x64xf32, #tpu.memory_space<vmem>> -> memref<1x128x64xf32, #tpu.memory_space<vmem>>
      %dma_wait3A_377 = tpu.memref_squeeze %dma_wait3A_376 : memref<1x128x64xf32, #tpu.memory_space<vmem>> -> memref<128x64xf32, #tpu.memory_space<vmem>>
      %dma_wait3A_378 = arith.constant 0 : i32
      %dma_wait3A_379 = tpu.memref_slice %arg4[%mul3A_2, %dma_wait3A_378] : memref<819200x64xf32, #tpu.memory_space<hbm>> -> memref<128x64xf32, #tpu.memory_space<hbm>>
      tpu.wait_dma2 semaphore(%arg12 : memref<!tpu.dma_semaphore, #tpu.memory_space<semaphore_mem>>) src(%dma_wait3A_379 : memref<128x64xf32, #tpu.memory_space<hbm>>) dst(%dma_wait3A_377 : memref<128x64xf32, #tpu.memory_space<vmem>>)
      %mul3A_380 = arith.constant 128 : i32
      %mul3A_381 = arith.muli %add3A_359, %mul3A_380 : i32
      %add3A_382 = arith.addi %mul3A_2, %mul3A_381 : i32
      %dma_start3A_383 = arith.constant 5 : i32
      %dma_start3A_384 = arith.constant 0 : i32
      %dma_start3A_385 = arith.constant 0 : i32
      %dma_start3A_386 = tpu.memref_slice %arg6[%dma_start3A_383, %dma_start3A_384, %dma_start3A_385] : memref<8x128x64xf32, #tpu.memory_space<vmem>> -> memref<1x128x64xf32, #tpu.memory_space<vmem>>
      %dma_start3A_387 = tpu.memref_squeeze %dma_start3A_386 : memref<1x128x64xf32, #tpu.memory_space<vmem>> -> memref<128x64xf32, #tpu.memory_space<vmem>>
      %dma_start3A_388 = arith.constant 0 : i32
      %dma_start3A_389 = tpu.memref_slice %arg4[%add3A_382, %dma_start3A_388] : memref<819200x64xf32, #tpu.memory_space<hbm>> -> memref<128x64xf32, #tpu.memory_space<hbm>>
      %dma_start3A_390 = arith.constant 0 : i32
      %dma_start3A_391 = tpu.memref_slice %arg4[%add3A_382, %dma_start3A_390] : memref<819200x64xf32, #tpu.memory_space<hbm>> -> memref<128x64xf32, #tpu.memory_space<hbm>>
      %dma_start3A_392 = arith.constant 0 : i32
      %dma_start3A_393 = arith.constant 0 : i32
      %dma_start3A_394 = tpu.memref_slice %arg6[%dma_start3A_383, %dma_start3A_392, %dma_start3A_393] : memref<8x128x64xf32, #tpu.memory_space<vmem>> -> memref<1x128x64xf32, #tpu.memory_space<vmem>>
      %dma_start3A_395 = tpu.memref_squeeze %dma_start3A_394 : memref<1x128x64xf32, #tpu.memory_space<vmem>> -> memref<128x64xf32, #tpu.memory_space<vmem>>
      tpu.enqueue_dma source(%dma_start3A_395 : memref<128x64xf32, #tpu.memory_space<vmem>>) target(%dma_start3A_391 : memref<128x64xf32, #tpu.memory_space<hbm>>) target_semaphore(%arg20 : memref<!tpu.dma_semaphore, #tpu.memory_space<semaphore_mem>>)
      %mul3A_396 = arith.constant 8 : i32
      %mul3A_397 = arith.muli %scan3A_158, %mul3A_396 : i32
      %add3A_398 = arith.constant 6 : i32
      %add3A_399 = arith.addi %mul3A_397, %add3A_398 : i32
      %add3A_400 = arith.constant 4 : i32
      %add3A_401 = arith.addi %add3A_399, %add3A_400 : i32
      %lt3A_402 = arith.constant 200 : i32
      %lt3A_403 = arith.cmpi slt, %add3A_401, %lt3A_402 : i32
      %convert_element_type3A_404 = arith.extui %lt3A_403 : i1 to i32
      %cond3A_405 = arith.constant 0 : i32
      %cond3A_406 = arith.cmpi ne, %convert_element_type3A_404, %cond3A_405 : i32
      scf.if %cond3A_406 {
        %ge3A = arith.constant 8 : i32
        %ge3A_476 = arith.cmpi sge, %add3A_401, %ge3A : i32
        %convert_element_type3A_477 = arith.extui %ge3A_476 : i1 to i32
        %cond3A_478 = arith.constant 0 : i32
        %cond3A_479 = arith.cmpi ne, %convert_element_type3A_477, %cond3A_478 : i32
        scf.if %cond3A_479 {
          %dma_wait3A_491 = arith.constant 2 : i32
          %dma_wait3A_492 = arith.constant 0 : i32
          %dma_wait3A_493 = arith.constant 0 : i32
          %dma_wait3A_494 = tpu.memref_slice %arg6[%dma_wait3A_491, %dma_wait3A_492, %dma_wait3A_493] : memref<8x128x64xf32, #tpu.memory_space<vmem>> -> memref<1x128x64xf32, #tpu.memory_space<vmem>>
          %dma_wait3A_495 = tpu.memref_squeeze %dma_wait3A_494 : memref<1x128x64xf32, #tpu.memory_space<vmem>> -> memref<128x64xf32, #tpu.memory_space<vmem>>
          %dma_wait3A_496 = arith.constant 0 : i32
          %dma_wait3A_497 = tpu.memref_slice %arg4[%mul3A_2, %dma_wait3A_496] : memref<819200x64xf32, #tpu.memory_space<hbm>> -> memref<128x64xf32, #tpu.memory_space<hbm>>
          %dma_wait3A_498 = arith.constant 0 : i32
          %dma_wait3A_499 = tpu.memref_slice %arg4[%mul3A_2, %dma_wait3A_498] : memref<819200x64xf32, #tpu.memory_space<hbm>> -> memref<128x64xf32, #tpu.memory_space<hbm>>
          %dma_wait3A_500 = arith.constant 0 : i32
          %dma_wait3A_501 = arith.constant 0 : i32
          %dma_wait3A_502 = tpu.memref_slice %arg6[%dma_wait3A_491, %dma_wait3A_500, %dma_wait3A_501] : memref<8x128x64xf32, #tpu.memory_space<vmem>> -> memref<1x128x64xf32, #tpu.memory_space<vmem>>
          %dma_wait3A_503 = tpu.memref_squeeze %dma_wait3A_502 : memref<1x128x64xf32, #tpu.memory_space<vmem>> -> memref<128x64xf32, #tpu.memory_space<vmem>>
          tpu.wait_dma2 semaphore(%arg17 : memref<!tpu.dma_semaphore, #tpu.memory_space<semaphore_mem>>) src(%dma_wait3A_503 : memref<128x64xf32, #tpu.memory_space<vmem>>) dst(%dma_wait3A_499 : memref<128x64xf32, #tpu.memory_space<hbm>>)
        } else {
        }
        %dma_start3A_480 = arith.constant 2 : i32
        %dma_start3A_481 = arith.constant 0 : i32
        %dma_start3A_482 = arith.constant 0 : i32
        %dma_start3A_483 = tpu.memref_slice %arg6[%dma_start3A_480, %dma_start3A_481, %dma_start3A_482] : memref<8x128x64xf32, #tpu.memory_space<vmem>> -> memref<1x128x64xf32, #tpu.memory_space<vmem>>
        %dma_start3A_484 = tpu.memref_squeeze %dma_start3A_483 : memref<1x128x64xf32, #tpu.memory_space<vmem>> -> memref<128x64xf32, #tpu.memory_space<vmem>>
        %dma_start3A_485 = arith.constant 0 : i32
        %dma_start3A_486 = tpu.memref_slice %arg5[%add3A_401, %dma_start3A_485] : memref<200x128xi32, #tpu.memory_space<vmem>> -> memref<1x128xi32, #tpu.memory_space<vmem>>
        %dma_start3A_487 = tpu.memref_squeeze %dma_start3A_486 : memref<1x128xi32, #tpu.memory_space<vmem>> -> memref<128xi32, #tpu.memory_space<vmem>>
        %dma_start3A_488 = arith.constant 0 : i32
        %dma_start3A_489 = arith.constant 0 : i32
        %dma_start3A_490 = tpu.memref_slice %arg3[%dma_start3A_488, %dma_start3A_489] : memref<1000000x64xf32, #tpu.memory_space<hbm>> -> memref<1000000x64xf32, #tpu.memory_space<hbm>>
        tpu.enqueue_indirect_dma source(%dma_start3A_490 : memref<1000000x64xf32, #tpu.memory_space<hbm>>) target(%dma_start3A_484 : memref<128x64xf32, #tpu.memory_space<vmem>>) offsets(%dma_start3A_487 : memref<128xi32, #tpu.memory_space<vmem>>) semaphore(%arg9 : memref<!tpu.dma_semaphore, #tpu.memory_space<semaphore_mem>>)
      } else {
      }
      %dma_wait3A_407 = arith.constant 6 : i32
      %dma_wait3A_408 = arith.constant 0 : i32
      %dma_wait3A_409 = arith.constant 0 : i32
      %dma_wait3A_410 = tpu.memref_slice %arg6[%dma_wait3A_407, %dma_wait3A_408, %dma_wait3A_409] : memref<8x128x64xf32, #tpu.memory_space<vmem>> -> memref<1x128x64xf32, #tpu.memory_space<vmem>>
      %dma_wait3A_411 = tpu.memref_squeeze %dma_wait3A_410 : memref<1x128x64xf32, #tpu.memory_space<vmem>> -> memref<128x64xf32, #tpu.memory_space<vmem>>
      %dma_wait3A_412 = arith.constant 0 : i32
      %dma_wait3A_413 = tpu.memref_slice %arg4[%mul3A_2, %dma_wait3A_412] : memref<819200x64xf32, #tpu.memory_space<hbm>> -> memref<128x64xf32, #tpu.memory_space<hbm>>
      %dma_wait3A_414 = arith.constant 0 : i32
      %dma_wait3A_415 = arith.constant 0 : i32
      %dma_wait3A_416 = tpu.memref_slice %arg6[%dma_wait3A_407, %dma_wait3A_414, %dma_wait3A_415] : memref<8x128x64xf32, #tpu.memory_space<vmem>> -> memref<1x128x64xf32, #tpu.memory_space<vmem>>
      %dma_wait3A_417 = tpu.memref_squeeze %dma_wait3A_416 : memref<1x128x64xf32, #tpu.memory_space<vmem>> -> memref<128x64xf32, #tpu.memory_space<vmem>>
      %dma_wait3A_418 = arith.constant 0 : i32
      %dma_wait3A_419 = tpu.memref_slice %arg4[%mul3A_2, %dma_wait3A_418] : memref<819200x64xf32, #tpu.memory_space<hbm>> -> memref<128x64xf32, #tpu.memory_space<hbm>>
      tpu.wait_dma2 semaphore(%arg13 : memref<!tpu.dma_semaphore, #tpu.memory_space<semaphore_mem>>) src(%dma_wait3A_419 : memref<128x64xf32, #tpu.memory_space<hbm>>) dst(%dma_wait3A_417 : memref<128x64xf32, #tpu.memory_space<vmem>>)
      %mul3A_420 = arith.constant 128 : i32
      %mul3A_421 = arith.muli %add3A_399, %mul3A_420 : i32
      %add3A_422 = arith.addi %mul3A_2, %mul3A_421 : i32
      %dma_start3A_423 = arith.constant 6 : i32
      %dma_start3A_424 = arith.constant 0 : i32
      %dma_start3A_425 = arith.constant 0 : i32
      %dma_start3A_426 = tpu.memref_slice %arg6[%dma_start3A_423, %dma_start3A_424, %dma_start3A_425] : memref<8x128x64xf32, #tpu.memory_space<vmem>> -> memref<1x128x64xf32, #tpu.memory_space<vmem>>
      %dma_start3A_427 = tpu.memref_squeeze %dma_start3A_426 : memref<1x128x64xf32, #tpu.memory_space<vmem>> -> memref<128x64xf32, #tpu.memory_space<vmem>>
      %dma_start3A_428 = arith.constant 0 : i32
      %dma_start3A_429 = tpu.memref_slice %arg4[%add3A_422, %dma_start3A_428] : memref<819200x64xf32, #tpu.memory_space<hbm>> -> memref<128x64xf32, #tpu.memory_space<hbm>>
      %dma_start3A_430 = arith.constant 0 : i32
      %dma_start3A_431 = tpu.memref_slice %arg4[%add3A_422, %dma_start3A_430] : memref<819200x64xf32, #tpu.memory_space<hbm>> -> memref<128x64xf32, #tpu.memory_space<hbm>>
      %dma_start3A_432 = arith.constant 0 : i32
      %dma_start3A_433 = arith.constant 0 : i32
      %dma_start3A_434 = tpu.memref_slice %arg6[%dma_start3A_423, %dma_start3A_432, %dma_start3A_433] : memref<8x128x64xf32, #tpu.memory_space<vmem>> -> memref<1x128x64xf32, #tpu.memory_space<vmem>>
      %dma_start3A_435 = tpu.memref_squeeze %dma_start3A_434 : memref<1x128x64xf32, #tpu.memory_space<vmem>> -> memref<128x64xf32, #tpu.memory_space<vmem>>
      tpu.enqueue_dma source(%dma_start3A_435 : memref<128x64xf32, #tpu.memory_space<vmem>>) target(%dma_start3A_431 : memref<128x64xf32, #tpu.memory_space<hbm>>) target_semaphore(%arg21 : memref<!tpu.dma_semaphore, #tpu.memory_space<semaphore_mem>>)
      %mul3A_436 = arith.constant 8 : i32
      %mul3A_437 = arith.muli %scan3A_158, %mul3A_436 : i32
      %add3A_438 = arith.constant 7 : i32
      %add3A_439 = arith.addi %mul3A_437, %add3A_438 : i32
      %add3A_440 = arith.constant 4 : i32
      %add3A_441 = arith.addi %add3A_439, %add3A_440 : i32
      %lt3A_442 = arith.constant 200 : i32
      %lt3A_443 = arith.cmpi slt, %add3A_441, %lt3A_442 : i32
      %convert_element_type3A_444 = arith.extui %lt3A_443 : i1 to i32
      %cond3A_445 = arith.constant 0 : i32
      %cond3A_446 = arith.cmpi ne, %convert_element_type3A_444, %cond3A_445 : i32
      scf.if %cond3A_446 {
        %ge3A = arith.constant 8 : i32
        %ge3A_476 = arith.cmpi sge, %add3A_441, %ge3A : i32
        %convert_element_type3A_477 = arith.extui %ge3A_476 : i1 to i32
        %cond3A_478 = arith.constant 0 : i32
        %cond3A_479 = arith.cmpi ne, %convert_element_type3A_477, %cond3A_478 : i32
        scf.if %cond3A_479 {
          %dma_wait3A_491 = arith.constant 3 : i32
          %dma_wait3A_492 = arith.constant 0 : i32
          %dma_wait3A_493 = arith.constant 0 : i32
          %dma_wait3A_494 = tpu.memref_slice %arg6[%dma_wait3A_491, %dma_wait3A_492, %dma_wait3A_493] : memref<8x128x64xf32, #tpu.memory_space<vmem>> -> memref<1x128x64xf32, #tpu.memory_space<vmem>>
          %dma_wait3A_495 = tpu.memref_squeeze %dma_wait3A_494 : memref<1x128x64xf32, #tpu.memory_space<vmem>> -> memref<128x64xf32, #tpu.memory_space<vmem>>
          %dma_wait3A_496 = arith.constant 0 : i32
          %dma_wait3A_497 = tpu.memref_slice %arg4[%mul3A_2, %dma_wait3A_496] : memref<819200x64xf32, #tpu.memory_space<hbm>> -> memref<128x64xf32, #tpu.memory_space<hbm>>
          %dma_wait3A_498 = arith.constant 0 : i32
          %dma_wait3A_499 = tpu.memref_slice %arg4[%mul3A_2, %dma_wait3A_498] : memref<819200x64xf32, #tpu.memory_space<hbm>> -> memref<128x64xf32, #tpu.memory_space<hbm>>
          %dma_wait3A_500 = arith.constant 0 : i32
          %dma_wait3A_501 = arith.constant 0 : i32
          %dma_wait3A_502 = tpu.memref_slice %arg6[%dma_wait3A_491, %dma_wait3A_500, %dma_wait3A_501] : memref<8x128x64xf32, #tpu.memory_space<vmem>> -> memref<1x128x64xf32, #tpu.memory_space<vmem>>
          %dma_wait3A_503 = tpu.memref_squeeze %dma_wait3A_502 : memref<1x128x64xf32, #tpu.memory_space<vmem>> -> memref<128x64xf32, #tpu.memory_space<vmem>>
          tpu.wait_dma2 semaphore(%arg18 : memref<!tpu.dma_semaphore, #tpu.memory_space<semaphore_mem>>) src(%dma_wait3A_503 : memref<128x64xf32, #tpu.memory_space<vmem>>) dst(%dma_wait3A_499 : memref<128x64xf32, #tpu.memory_space<hbm>>)
        } else {
        }
        %dma_start3A_480 = arith.constant 3 : i32
        %dma_start3A_481 = arith.constant 0 : i32
        %dma_start3A_482 = arith.constant 0 : i32
        %dma_start3A_483 = tpu.memref_slice %arg6[%dma_start3A_480, %dma_start3A_481, %dma_start3A_482] : memref<8x128x64xf32, #tpu.memory_space<vmem>> -> memref<1x128x64xf32, #tpu.memory_space<vmem>>
        %dma_start3A_484 = tpu.memref_squeeze %dma_start3A_483 : memref<1x128x64xf32, #tpu.memory_space<vmem>> -> memref<128x64xf32, #tpu.memory_space<vmem>>
        %dma_start3A_485 = arith.constant 0 : i32
        %dma_start3A_486 = tpu.memref_slice %arg5[%add3A_441, %dma_start3A_485] : memref<200x128xi32, #tpu.memory_space<vmem>> -> memref<1x128xi32, #tpu.memory_space<vmem>>
        %dma_start3A_487 = tpu.memref_squeeze %dma_start3A_486 : memref<1x128xi32, #tpu.memory_space<vmem>> -> memref<128xi32, #tpu.memory_space<vmem>>
        %dma_start3A_488 = arith.constant 0 : i32
        %dma_start3A_489 = arith.constant 0 : i32
        %dma_start3A_490 = tpu.memref_slice %arg3[%dma_start3A_488, %dma_start3A_489] : memref<1000000x64xf32, #tpu.memory_space<hbm>> -> memref<1000000x64xf32, #tpu.memory_space<hbm>>
        tpu.enqueue_indirect_dma source(%dma_start3A_490 : memref<1000000x64xf32, #tpu.memory_space<hbm>>) target(%dma_start3A_484 : memref<128x64xf32, #tpu.memory_space<vmem>>) offsets(%dma_start3A_487 : memref<128xi32, #tpu.memory_space<vmem>>) semaphore(%arg10 : memref<!tpu.dma_semaphore, #tpu.memory_space<semaphore_mem>>)
      } else {
      }
      %dma_wait3A_447 = arith.constant 7 : i32
      %dma_wait3A_448 = arith.constant 0 : i32
      %dma_wait3A_449 = arith.constant 0 : i32
      %dma_wait3A_450 = tpu.memref_slice %arg6[%dma_wait3A_447, %dma_wait3A_448, %dma_wait3A_449] : memref<8x128x64xf32, #tpu.memory_space<vmem>> -> memref<1x128x64xf32, #tpu.memory_space<vmem>>
      %dma_wait3A_451 = tpu.memref_squeeze %dma_wait3A_450 : memref<1x128x64xf32, #tpu.memory_space<vmem>> -> memref<128x64xf32, #tpu.memory_space<vmem>>
      %dma_wait3A_452 = arith.constant 0 : i32
      %dma_wait3A_453 = tpu.memref_slice %arg4[%mul3A_2, %dma_wait3A_452] : memref<819200x64xf32, #tpu.memory_space<hbm>> -> memref<128x64xf32, #tpu.memory_space<hbm>>
      %dma_wait3A_454 = arith.constant 0 : i32
      %dma_wait3A_455 = arith.constant 0 : i32
      %dma_wait3A_456 = tpu.memref_slice %arg6[%dma_wait3A_447, %dma_wait3A_454, %dma_wait3A_455] : memref<8x128x64xf32, #tpu.memory_space<vmem>> -> memref<1x128x64xf32, #tpu.memory_space<vmem>>
      %dma_wait3A_457 = tpu.memref_squeeze %dma_wait3A_456 : memref<1x128x64xf32, #tpu.memory_space<vmem>> -> memref<128x64xf32, #tpu.memory_space<vmem>>
      %dma_wait3A_458 = arith.constant 0 : i32
      %dma_wait3A_459 = tpu.memref_slice %arg4[%mul3A_2, %dma_wait3A_458] : memref<819200x64xf32, #tpu.memory_space<hbm>> -> memref<128x64xf32, #tpu.memory_space<hbm>>
      tpu.wait_dma2 semaphore(%arg14 : memref<!tpu.dma_semaphore, #tpu.memory_space<semaphore_mem>>) src(%dma_wait3A_459 : memref<128x64xf32, #tpu.memory_space<hbm>>) dst(%dma_wait3A_457 : memref<128x64xf32, #tpu.memory_space<vmem>>)
      %mul3A_460 = arith.constant 128 : i32
      %mul3A_461 = arith.muli %add3A_439, %mul3A_460 : i32
      %add3A_462 = arith.addi %mul3A_2, %mul3A_461 : i32
      %dma_start3A_463 = arith.constant 7 : i32
      %dma_start3A_464 = arith.constant 0 : i32
      %dma_start3A_465 = arith.constant 0 : i32
      %dma_start3A_466 = tpu.memref_slice %arg6[%dma_start3A_463, %dma_start3A_464, %dma_start3A_465] : memref<8x128x64xf32, #tpu.memory_space<vmem>> -> memref<1x128x64xf32, #tpu.memory_space<vmem>>
      %dma_start3A_467 = tpu.memref_squeeze %dma_start3A_466 : memref<1x128x64xf32, #tpu.memory_space<vmem>> -> memref<128x64xf32, #tpu.memory_space<vmem>>
      %dma_start3A_468 = arith.constant 0 : i32
      %dma_start3A_469 = tpu.memref_slice %arg4[%add3A_462, %dma_start3A_468] : memref<819200x64xf32, #tpu.memory_space<hbm>> -> memref<128x64xf32, #tpu.memory_space<hbm>>
      %dma_start3A_470 = arith.constant 0 : i32
      %dma_start3A_471 = tpu.memref_slice %arg4[%add3A_462, %dma_start3A_470] : memref<819200x64xf32, #tpu.memory_space<hbm>> -> memref<128x64xf32, #tpu.memory_space<hbm>>
      %dma_start3A_472 = arith.constant 0 : i32
      %dma_start3A_473 = arith.constant 0 : i32
      %dma_start3A_474 = tpu.memref_slice %arg6[%dma_start3A_463, %dma_start3A_472, %dma_start3A_473] : memref<8x128x64xf32, #tpu.memory_space<vmem>> -> memref<1x128x64xf32, #tpu.memory_space<vmem>>
      %dma_start3A_475 = tpu.memref_squeeze %dma_start3A_474 : memref<1x128x64xf32, #tpu.memory_space<vmem>> -> memref<128x64xf32, #tpu.memory_space<vmem>>
      tpu.enqueue_dma source(%dma_start3A_475 : memref<128x64xf32, #tpu.memory_space<vmem>>) target(%dma_start3A_471 : memref<128x64xf32, #tpu.memory_space<hbm>>) target_semaphore(%arg22 : memref<!tpu.dma_semaphore, #tpu.memory_space<semaphore_mem>>)
    }
    %scan3A_54 = arith.constant 25 : i32
    %dma_wait3A = arith.constant 0 : i32
    %dma_wait3A_55 = arith.constant 0 : i32
    %dma_wait3A_56 = arith.constant 0 : i32
    %dma_wait3A_57 = tpu.memref_slice %arg6[%dma_wait3A, %dma_wait3A_55, %dma_wait3A_56] : memref<8x128x64xf32, #tpu.memory_space<vmem>> -> memref<1x128x64xf32, #tpu.memory_space<vmem>>
    %dma_wait3A_58 = tpu.memref_squeeze %dma_wait3A_57 : memref<1x128x64xf32, #tpu.memory_space<vmem>> -> memref<128x64xf32, #tpu.memory_space<vmem>>
    %dma_wait3A_59 = arith.constant 0 : i32
    %dma_wait3A_60 = tpu.memref_slice %arg4[%mul3A_2, %dma_wait3A_59] : memref<819200x64xf32, #tpu.memory_space<hbm>> -> memref<128x64xf32, #tpu.memory_space<hbm>>
    %dma_wait3A_61 = arith.constant 0 : i32
    %dma_wait3A_62 = tpu.memref_slice %arg4[%mul3A_2, %dma_wait3A_61] : memref<819200x64xf32, #tpu.memory_space<hbm>> -> memref<128x64xf32, #tpu.memory_space<hbm>>
    %dma_wait3A_63 = arith.constant 0 : i32
    %dma_wait3A_64 = arith.constant 0 : i32
    %dma_wait3A_65 = tpu.memref_slice %arg6[%dma_wait3A, %dma_wait3A_63, %dma_wait3A_64] : memref<8x128x64xf32, #tpu.memory_space<vmem>> -> memref<1x128x64xf32, #tpu.memory_space<vmem>>
    %dma_wait3A_66 = tpu.memref_squeeze %dma_wait3A_65 : memref<1x128x64xf32, #tpu.memory_space<vmem>> -> memref<128x64xf32, #tpu.memory_space<vmem>>
    tpu.wait_dma2 semaphore(%arg15 : memref<!tpu.dma_semaphore, #tpu.memory_space<semaphore_mem>>) src(%dma_wait3A_66 : memref<128x64xf32, #tpu.memory_space<vmem>>) dst(%dma_wait3A_62 : memref<128x64xf32, #tpu.memory_space<hbm>>)
    %dma_wait3A_67 = arith.constant 1 : i32
    %dma_wait3A_68 = arith.constant 0 : i32
    %dma_wait3A_69 = arith.constant 0 : i32
    %dma_wait3A_70 = tpu.memref_slice %arg6[%dma_wait3A_67, %dma_wait3A_68, %dma_wait3A_69] : memref<8x128x64xf32, #tpu.memory_space<vmem>> -> memref<1x128x64xf32, #tpu.memory_space<vmem>>
    %dma_wait3A_71 = tpu.memref_squeeze %dma_wait3A_70 : memref<1x128x64xf32, #tpu.memory_space<vmem>> -> memref<128x64xf32, #tpu.memory_space<vmem>>
    %dma_wait3A_72 = arith.constant 0 : i32
    %dma_wait3A_73 = tpu.memref_slice %arg4[%mul3A_2, %dma_wait3A_72] : memref<819200x64xf32, #tpu.memory_space<hbm>> -> memref<128x64xf32, #tpu.memory_space<hbm>>
    %dma_wait3A_74 = arith.constant 0 : i32
    %dma_wait3A_75 = tpu.memref_slice %arg4[%mul3A_2, %dma_wait3A_74] : memref<819200x64xf32, #tpu.memory_space<hbm>> -> memref<128x64xf32, #tpu.memory_space<hbm>>
    %dma_wait3A_76 = arith.constant 0 : i32
    %dma_wait3A_77 = arith.constant 0 : i32
    %dma_wait3A_78 = tpu.memref_slice %arg6[%dma_wait3A_67, %dma_wait3A_76, %dma_wait3A_77] : memref<8x128x64xf32, #tpu.memory_space<vmem>> -> memref<1x128x64xf32, #tpu.memory_space<vmem>>
    %dma_wait3A_79 = tpu.memref_squeeze %dma_wait3A_78 : memref<1x128x64xf32, #tpu.memory_space<vmem>> -> memref<128x64xf32, #tpu.memory_space<vmem>>
    tpu.wait_dma2 semaphore(%arg16 : memref<!tpu.dma_semaphore, #tpu.memory_space<semaphore_mem>>) src(%dma_wait3A_79 : memref<128x64xf32, #tpu.memory_space<vmem>>) dst(%dma_wait3A_75 : memref<128x64xf32, #tpu.memory_space<hbm>>)
    %dma_wait3A_80 = arith.constant 2 : i32
    %dma_wait3A_81 = arith.constant 0 : i32
    %dma_wait3A_82 = arith.constant 0 : i32
    %dma_wait3A_83 = tpu.memref_slice %arg6[%dma_wait3A_80, %dma_wait3A_81, %dma_wait3A_82] : memref<8x128x64xf32, #tpu.memory_space<vmem>> -> memref<1x128x64xf32, #tpu.memory_space<vmem>>
    %dma_wait3A_84 = tpu.memref_squeeze %dma_wait3A_83 : memref<1x128x64xf32, #tpu.memory_space<vmem>> -> memref<128x64xf32, #tpu.memory_space<vmem>>
    %dma_wait3A_85 = arith.constant 0 : i32
    %dma_wait3A_86 = tpu.memref_slice %arg4[%mul3A_2, %dma_wait3A_85] : memref<819200x64xf32, #tpu.memory_space<hbm>> -> memref<128x64xf32, #tpu.memory_space<hbm>>
    %dma_wait3A_87 = arith.constant 0 : i32
    %dma_wait3A_88 = tpu.memref_slice %arg4[%mul3A_2, %dma_wait3A_87] : memref<819200x64xf32, #tpu.memory_space<hbm>> -> memref<128x64xf32, #tpu.memory_space<hbm>>
    %dma_wait3A_89 = arith.constant 0 : i32
    %dma_wait3A_90 = arith.constant 0 : i32
    %dma_wait3A_91 = tpu.memref_slice %arg6[%dma_wait3A_80, %dma_wait3A_89, %dma_wait3A_90] : memref<8x128x64xf32, #tpu.memory_space<vmem>> -> memref<1x128x64xf32, #tpu.memory_space<vmem>>
    %dma_wait3A_92 = tpu.memref_squeeze %dma_wait3A_91 : memref<1x128x64xf32, #tpu.memory_space<vmem>> -> memref<128x64xf32, #tpu.memory_space<vmem>>
    tpu.wait_dma2 semaphore(%arg17 : memref<!tpu.dma_semaphore, #tpu.memory_space<semaphore_mem>>) src(%dma_wait3A_92 : memref<128x64xf32, #tpu.memory_space<vmem>>) dst(%dma_wait3A_88 : memref<128x64xf32, #tpu.memory_space<hbm>>)
    %dma_wait3A_93 = arith.constant 3 : i32
    %dma_wait3A_94 = arith.constant 0 : i32
    %dma_wait3A_95 = arith.constant 0 : i32
    %dma_wait3A_96 = tpu.memref_slice %arg6[%dma_wait3A_93, %dma_wait3A_94, %dma_wait3A_95] : memref<8x128x64xf32, #tpu.memory_space<vmem>> -> memref<1x128x64xf32, #tpu.memory_space<vmem>>
    %dma_wait3A_97 = tpu.memref_squeeze %dma_wait3A_96 : memref<1x128x64xf32, #tpu.memory_space<vmem>> -> memref<128x64xf32, #tpu.memory_space<vmem>>
    %dma_wait3A_98 = arith.constant 0 : i32
    %dma_wait3A_99 = tpu.memref_slice %arg4[%mul3A_2, %dma_wait3A_98] : memref<819200x64xf32, #tpu.memory_space<hbm>> -> memref<128x64xf32, #tpu.memory_space<hbm>>
    %dma_wait3A_100 = arith.constant 0 : i32
    %dma_wait3A_101 = tpu.memref_slice %arg4[%mul3A_2, %dma_wait3A_100] : memref<819200x64xf32, #tpu.memory_space<hbm>> -> memref<128x64xf32, #tpu.memory_space<hbm>>
    %dma_wait3A_102 = arith.constant 0 : i32
    %dma_wait3A_103 = arith.constant 0 : i32
    %dma_wait3A_104 = tpu.memref_slice %arg6[%dma_wait3A_93, %dma_wait3A_102, %dma_wait3A_103] : memref<8x128x64xf32, #tpu.memory_space<vmem>> -> memref<1x128x64xf32, #tpu.memory_space<vmem>>
    %dma_wait3A_105 = tpu.memref_squeeze %dma_wait3A_104 : memref<1x128x64xf32, #tpu.memory_space<vmem>> -> memref<128x64xf32, #tpu.memory_space<vmem>>
    tpu.wait_dma2 semaphore(%arg18 : memref<!tpu.dma_semaphore, #tpu.memory_space<semaphore_mem>>) src(%dma_wait3A_105 : memref<128x64xf32, #tpu.memory_space<vmem>>) dst(%dma_wait3A_101 : memref<128x64xf32, #tpu.memory_space<hbm>>)
    %dma_wait3A_106 = arith.constant 4 : i32
    %dma_wait3A_107 = arith.constant 0 : i32
    %dma_wait3A_108 = arith.constant 0 : i32
    %dma_wait3A_109 = tpu.memref_slice %arg6[%dma_wait3A_106, %dma_wait3A_107, %dma_wait3A_108] : memref<8x128x64xf32, #tpu.memory_space<vmem>> -> memref<1x128x64xf32, #tpu.memory_space<vmem>>
    %dma_wait3A_110 = tpu.memref_squeeze %dma_wait3A_109 : memref<1x128x64xf32, #tpu.memory_space<vmem>> -> memref<128x64xf32, #tpu.memory_space<vmem>>
    %dma_wait3A_111 = arith.constant 0 : i32
    %dma_wait3A_112 = tpu.memref_slice %arg4[%mul3A_2, %dma_wait3A_111] : memref<819200x64xf32, #tpu.memory_space<hbm>> -> memref<128x64xf32, #tpu.memory_space<hbm>>
    %dma_wait3A_113 = arith.constant 0 : i32
    %dma_wait3A_114 = tpu.memref_slice %arg4[%mul3A_2, %dma_wait3A_113] : memref<819200x64xf32, #tpu.memory_space<hbm>> -> memref<128x64xf32, #tpu.memory_space<hbm>>
    %dma_wait3A_115 = arith.constant 0 : i32
    %dma_wait3A_116 = arith.constant 0 : i32
    %dma_wait3A_117 = tpu.memref_slice %arg6[%dma_wait3A_106, %dma_wait3A_115, %dma_wait3A_116] : memref<8x128x64xf32, #tpu.memory_space<vmem>> -> memref<1x128x64xf32, #tpu.memory_space<vmem>>
    %dma_wait3A_118 = tpu.memref_squeeze %dma_wait3A_117 : memref<1x128x64xf32, #tpu.memory_space<vmem>> -> memref<128x64xf32, #tpu.memory_space<vmem>>
    tpu.wait_dma2 semaphore(%arg19 : memref<!tpu.dma_semaphore, #tpu.memory_space<semaphore_mem>>) src(%dma_wait3A_118 : memref<128x64xf32, #tpu.memory_space<vmem>>) dst(%dma_wait3A_114 : memref<128x64xf32, #tpu.memory_space<hbm>>)
    %dma_wait3A_119 = arith.constant 5 : i32
    %dma_wait3A_120 = arith.constant 0 : i32
    %dma_wait3A_121 = arith.constant 0 : i32
    %dma_wait3A_122 = tpu.memref_slice %arg6[%dma_wait3A_119, %dma_wait3A_120, %dma_wait3A_121] : memref<8x128x64xf32, #tpu.memory_space<vmem>> -> memref<1x128x64xf32, #tpu.memory_space<vmem>>
    %dma_wait3A_123 = tpu.memref_squeeze %dma_wait3A_122 : memref<1x128x64xf32, #tpu.memory_space<vmem>> -> memref<128x64xf32, #tpu.memory_space<vmem>>
    %dma_wait3A_124 = arith.constant 0 : i32
    %dma_wait3A_125 = tpu.memref_slice %arg4[%mul3A_2, %dma_wait3A_124] : memref<819200x64xf32, #tpu.memory_space<hbm>> -> memref<128x64xf32, #tpu.memory_space<hbm>>
    %dma_wait3A_126 = arith.constant 0 : i32
    %dma_wait3A_127 = tpu.memref_slice %arg4[%mul3A_2, %dma_wait3A_126] : memref<819200x64xf32, #tpu.memory_space<hbm>> -> memref<128x64xf32, #tpu.memory_space<hbm>>
    %dma_wait3A_128 = arith.constant 0 : i32
    %dma_wait3A_129 = arith.constant 0 : i32
    %dma_wait3A_130 = tpu.memref_slice %arg6[%dma_wait3A_119, %dma_wait3A_128, %dma_wait3A_129] : memref<8x128x64xf32, #tpu.memory_space<vmem>> -> memref<1x128x64xf32, #tpu.memory_space<vmem>>
    %dma_wait3A_131 = tpu.memref_squeeze %dma_wait3A_130 : memref<1x128x64xf32, #tpu.memory_space<vmem>> -> memref<128x64xf32, #tpu.memory_space<vmem>>
    tpu.wait_dma2 semaphore(%arg20 : memref<!tpu.dma_semaphore, #tpu.memory_space<semaphore_mem>>) src(%dma_wait3A_131 : memref<128x64xf32, #tpu.memory_space<vmem>>) dst(%dma_wait3A_127 : memref<128x64xf32, #tpu.memory_space<hbm>>)
    %dma_wait3A_132 = arith.constant 6 : i32
    %dma_wait3A_133 = arith.constant 0 : i32
    %dma_wait3A_134 = arith.constant 0 : i32
    %dma_wait3A_135 = tpu.memref_slice %arg6[%dma_wait3A_132, %dma_wait3A_133, %dma_wait3A_134] : memref<8x128x64xf32, #tpu.memory_space<vmem>> -> memref<1x128x64xf32, #tpu.memory_space<vmem>>
    %dma_wait3A_136 = tpu.memref_squeeze %dma_wait3A_135 : memref<1x128x64xf32, #tpu.memory_space<vmem>> -> memref<128x64xf32, #tpu.memory_space<vmem>>
    %dma_wait3A_137 = arith.constant 0 : i32
    %dma_wait3A_138 = tpu.memref_slice %arg4[%mul3A_2, %dma_wait3A_137] : memref<819200x64xf32, #tpu.memory_space<hbm>> -> memref<128x64xf32, #tpu.memory_space<hbm>>
    %dma_wait3A_139 = arith.constant 0 : i32
    %dma_wait3A_140 = tpu.memref_slice %arg4[%mul3A_2, %dma_wait3A_139] : memref<819200x64xf32, #tpu.memory_space<hbm>> -> memref<128x64xf32, #tpu.memory_space<hbm>>
    %dma_wait3A_141 = arith.constant 0 : i32
    %dma_wait3A_142 = arith.constant 0 : i32
    %dma_wait3A_143 = tpu.memref_slice %arg6[%dma_wait3A_132, %dma_wait3A_141, %dma_wait3A_142] : memref<8x128x64xf32, #tpu.memory_space<vmem>> -> memref<1x128x64xf32, #tpu.memory_space<vmem>>
    %dma_wait3A_144 = tpu.memref_squeeze %dma_wait3A_143 : memref<1x128x64xf32, #tpu.memory_space<vmem>> -> memref<128x64xf32, #tpu.memory_space<vmem>>
    tpu.wait_dma2 semaphore(%arg21 : memref<!tpu.dma_semaphore, #tpu.memory_space<semaphore_mem>>) src(%dma_wait3A_144 : memref<128x64xf32, #tpu.memory_space<vmem>>) dst(%dma_wait3A_140 : memref<128x64xf32, #tpu.memory_space<hbm>>)
    %dma_wait3A_145 = arith.constant 7 : i32
    %dma_wait3A_146 = arith.constant 0 : i32
    %dma_wait3A_147 = arith.constant 0 : i32
    %dma_wait3A_148 = tpu.memref_slice %arg6[%dma_wait3A_145, %dma_wait3A_146, %dma_wait3A_147] : memref<8x128x64xf32, #tpu.memory_space<vmem>> -> memref<1x128x64xf32, #tpu.memory_space<vmem>>
    %dma_wait3A_149 = tpu.memref_squeeze %dma_wait3A_148 : memref<1x128x64xf32, #tpu.memory_space<vmem>> -> memref<128x64xf32, #tpu.memory_space<vmem>>
    %dma_wait3A_150 = arith.constant 0 : i32
    %dma_wait3A_151 = tpu.memref_slice %arg4[%mul3A_2, %dma_wait3A_150] : memref<819200x64xf32, #tpu.memory_space<hbm>> -> memref<128x64xf32, #tpu.memory_space<hbm>>
    %dma_wait3A_152 = arith.constant 0 : i32
    %dma_wait3A_153 = tpu.memref_slice %arg4[%mul3A_2, %dma_wait3A_152] : memref<819200x64xf32, #tpu.memory_space<hbm>> -> memref<128x64xf32, #tpu.memory_space<hbm>>
    %dma_wait3A_154 = arith.constant 0 : i32
    %dma_wait3A_155 = arith.constant 0 : i32
    %dma_wait3A_156 = tpu.memref_slice %arg6[%dma_wait3A_145, %dma_wait3A_154, %dma_wait3A_155] : memref<8x128x64xf32, #tpu.memory_space<vmem>> -> memref<1x128x64xf32, #tpu.memory_space<vmem>>
    %dma_wait3A_157 = tpu.memref_squeeze %dma_wait3A_156 : memref<1x128x64xf32, #tpu.memory_space<vmem>> -> memref<128x64xf32, #tpu.memory_space<vmem>>
    tpu.wait_dma2 semaphore(%arg22 : memref<!tpu.dma_semaphore, #tpu.memory_space<semaphore_mem>>) src(%dma_wait3A_157 : memref<128x64xf32, #tpu.memory_space<vmem>>) dst(%dma_wait3A_153 : memref<128x64xf32, #tpu.memory_space<hbm>>)
    return
  }
}

</mosaic_0001>

<sc_bundles>
// kernel: kernel.3.cloned.1.call-start
scs
__scs_entry_jumppad:
0x0: {  	(pc) =	sbr.rel $0x88, $3  }
0x1: {  	(tag) =	ssettag $0x0;
	lr =	simm.s32 $0x1  }
0x2: {  	[smem:$0x3F9F] =	sst lr;
	_ =	strace $0xD0000000  }
0x3: {  	_ = 	snop  }
0x4: {  	_ = 	snop  }
0x5: {  	_ = 	snop  }
0x6: {  	_ = 	snop  }
0x7: {  	_ = 	snop  }
__scs_overlays_trampoline_lowered:
0x8: {  	[smem:$0x3FAE] =	sst s0  }
0x9: {  	[smem:$0x3FAF] =	sst s1  }
0xa: {  	[smem:$0x3FB0] =	sst s2  }
0xb: {  	[smem:$0x3FB1] =	sst s3  }
0xc: {  	[smem:$0x3FB2] =	sst s4  }
0xd: {  	[smem:$0x3FB3] =	sst s5  }
0xe: {  	[smem:$0x3FB4] =	sst s6  }
0xf: {  	[smem:$0x3FB5] =	sst s7  }
0x10: {  	[smem:$0x3FB6] =	sst s8  }
0x11: {  	[smem:$0x3FB7] =	sst s9;
	s0 =	simm.s32 @!p0 $0x0  }
0x12: {  	s1 =	sld [smem:$0x3F9D];
	s0 =	simm.s32 @p0 $0x1  }
0x13: {  	[smem:$0x3FB8] =	sst s0;
	s0 =	simm.s32 @!p1 $0x0  }
0x14: {  	s2 =	sld [smem:$0x3F9C];
	s0 =	simm.s32 @p1 $0x1  }
0x15: {  	[smem:$0x3FB9] =	sst s0;
	s0 =	simm.s32 @!p2 $0x0  }
0x16: {  	s3 =	sld [smem:$0x3FDB];
	s0 =	simm.s32 @p2 $0x1  }
0x17: {  	s4 =	simm.s32 $0x1BF5;
	[smem:$0x3FBB] =	sst s0  }
0x18: {  	s0 =	sld [smem:$0x3F9E];
	_ =	swait.ge [sflag:s4], $0x0  }
0x19: {  	s7 =	sld [smem:$0x3F9F]  }
0x1a: {  	s8 =	sadd.s32 $0xFFFFE003, lr  }
0x1b: {  	s9 =	sadd.s32 $0xFFFFFEF7, lr;
	s5 =	simm.s32 $0xFFFFFFFF;
	p2 =	slt.u32 s8, $0xFFFFF086  }
0x1c: {  	p1 =	slt.u32 s9, $0xF7A;
	s5 =	simm.s32 @!p2 $0x0  }
0x1d: {  	s5 =	simm.s32 @p1 $0x1;
	p0 =	seq.s32 s7, s2  }
0x1e: {  	s7 =	smul.u32 @!p0 $0xF7A, s2;
	p2 =	seq.s32 @!p0 s5, $0x0  }
0x1f: {  	s9 =	smul.u32 $0xF7A, s1;
	s8 =	simm.s32 @!p0 $0x1BF5;
	p2 =	por !p2, p0  }
0x20: {  	[sflag:s8] =	ssyncset.s32 @!p0 $0xFFFFF086;
	s6 =	sadd.s32 @!p0 s3, s7;
	s7 =	simm.s32 @!p0 $0x108  }
0x21: {  	s3 =	sadd.s32 s3, s9;
	s6 =	sadd.s32 @!p0 $0x88, s6;
	s7 =	simm.s32 @p2 $0x1082  }
0x22: {  	[simem:s7], [sflag:s8] =	dma.local @!p0 [hbm:s6], $0xF7A  }
0x23: {  	s9 =	sor.u32 $0xD0000000, s2;
	s6 =	simm.s32 $0x108;
	_ =	swait.ge @!p0 [sflag:s8], $0x0  }
0x24: {  	s3 =	sadd.s32 $0x88, s3;
	s6 =	simm.s32 @!p1 $0x1082;
	[sflag:s4] =	ssyncset.s32 $0xFFFFF086  }
0x25: {  	[simem:s6], [sflag:s4] =	dma.local [hbm:s3], $0xF7A  }
0x26: {  	[smem:$0x3F9F] =	sst s1;
	(tag) =	ssettag s2;
	_ =	strace s9  }
0x27: {  	s1 =	sld [smem:$0x3FAF]  }
0x28: {  	s2 =	sld [smem:$0x3FB0]  }
0x29: {  	s4 =	sld [smem:$0x3FB2]  }
0x2a: {  	p0 =	seq.s32 s5, $0x0;
	s5 =	sld [smem:$0x3FB3]  }
0x2b: {  	s6 =	sld [smem:$0x3FB4]  }
0x2c: {  	s7 =	sld [smem:$0x3FB5]  }
0x2d: {  	s3 =	simm.s32 $0x108;
	s8 =	sld [smem:$0x3FB6]  }
0x2e: {  	s3 =	simm.s32 @!p0 $0x1082;
	s9 =	sld [smem:$0x3FB7]  }
0x2f: {  	lr =	sadd.s32 s0, s3;
	s0 =	sld [smem:$0x3FAE]  }
0x30: {  	s3 =	sld [smem:$0x3FB1]  }
0x31: {  	[smem:$0x3FBA] =	sst s10  }
0x32: {  	s10 =	sld [smem:$0x3FB8];
	_ =	sdelay $0x3  }
0x33: {  	p0 =	seq.s32 s10, $0x1;
	s10 =	sld [smem:$0x3FBA];
	_ =	sdelay $0x3  }
0x34: {  	[smem:$0x3FBA] =	sst s10  }
0x35: {  	s10 =	sld [smem:$0x3FB9];
	_ =	sdelay $0x3  }
0x36: {  	p1 =	seq.s32 s10, $0x1;
	s10 =	sld [smem:$0x3FBA];
	_ =	sdelay $0x3  }
0x37: {  	[smem:$0x3FBA] =	sst s10  }
0x38: {  	s10 =	sld [smem:$0x3FBB]  }
0x39: {  	_ = 	snop;
	(pc) =	sbr.ind lr, $3  }
0x3a: {  	_ = 	snop  }
0x3b: {  	_ = 	snop  }
0x3c: {  	p2 =	seq.s32 s10, $0x1;
	s10 =	sld [smem:$0x3FBA]  }
0x3d: {  	_ =	shalt  }
0x3e: {  	_ =	shalt  }
0x3f: {  	_ =	shalt  }
0x40: {  	_ =	shalt  }
0x41: {  	_ =	shalt  }
0x42: {  	_ =	shalt  }
0x43: {  	_ =	shalt  }
0x44: {  	_ =	shalt  }
0x45: {  	_ =	shalt  }
0x46: {  	_ =	shalt  }
0x47: {  	_ =	shalt  }
0x48: {  	_ =	shalt  }
0x49: {  	_ =	shalt  }
0x4a: {  	_ =	shalt  }
0x4b: {  	_ =	shalt  }
0x4c: {  	_ =	shalt  }
0x4d: {  	_ =	shalt  }
0x4e: {  	_ =	shalt  }
0x4f: {  	_ =	shalt  }
0x50: {  	_ =	shalt  }
0x51: {  	_ =	shalt  }
0x52: {  	_ =	shalt  }
0x53: {  	_ =	shalt  }
0x54: {  	_ =	shalt  }
0x55: {  	_ =	shalt  }
0x56: {  	_ =	shalt  }
0x57: {  	_ =	shalt  }
0x58: {  	_ =	shalt  }
0x59: {  	_ =	shalt  }
0x5a: {  	_ =	shalt  }
0x5b: {  	_ =	shalt  }
0x5c: {  	_ =	shalt  }
0x5d: {  	_ =	shalt  }
0x5e: {  	_ =	shalt  }
0x5f: {  	_ =	shalt  }
0x60: {  	_ =	shalt  }
0x61: {  	_ =	shalt  }
0x62: {  	_ =	shalt  }
0x63: {  	_ =	shalt  }
0x64: {  	_ =	shalt  }
0x65: {  	_ =	shalt  }
0x66: {  	_ =	shalt  }
0x67: {  	_ =	shalt  }
0x68: {  	_ =	shalt  }
0x69: {  	_ =	shalt  }
0x6a: {  	_ =	shalt  }
0x6b: {  	_ =	shalt  }
0x6c: {  	_ =	shalt  }
0x6d: {  	_ =	shalt  }
0x6e: {  	_ =	shalt  }
0x6f: {  	_ =	shalt  }
0x70: {  	_ =	shalt  }
0x71: {  	_ =	shalt  }
0x72: {  	_ =	shalt  }
0x73: {  	_ =	shalt  }
0x74: {  	_ =	shalt  }
0x75: {  	_ =	shalt  }
0x76: {  	_ =	shalt  }
0x77: {  	_ =	shalt  }
0x78: {  	_ =	shalt  }
0x79: {  	_ =	shalt  }
0x7a: {  	_ =	shalt  }
0x7b: {  	_ =	shalt  }
0x7c: {  	_ =	shalt  }
0x7d: {  	_ =	shalt  }
0x7e: {  	_ =	shalt  }
0x7f: {  	_ =	shalt  }
0x80: {  	_ =	shalt  }
0x81: {  	_ =	shalt  }
0x82: {  	_ =	shalt  }
0x83: {  	_ =	shalt  }
0x84: {  	_ =	shalt  }
0x85: {  	_ =	shalt  }
0x86: {  	_ =	shalt  }
0x87: {  	_ =	shalt  }
.Lfunc_end0:
.L_simem_size_0:
called_computation.1_lowered:
.L_overlay_start_0:
0x88: {  	s2 =	sld [smem:$0x3FD9]  }
0x89: {  	s3 =	sld [smem:$0x3FFE];
	_ =	sdelay $0x1  }
0x8a: {  	s1 =	srdreg.scid  }
0x8b: {  	s0 =	sand.u32 $0x1, s1  }
0x8c: {  	s17 =	sshll.u32 s0, $0xA;
	s2 =	sadd.s32 s3, s2  }
0x8d: {  	s2 =	sadd.s32 s2, s17  }
0x8e: {  	[smem:$0x3FC6] =	sst s2  }
0x8f: {  	_ = 	snop  }
0x90: {  	s2 =	sld [smem:$0x3FD0];
	(tm) =	ssettm $0x1  }
0x91: {  	s18 =	sld [smem:$0x3FFB];
	_ =	sdelay $0x3  }
0x92: {  	_ =	strace s18  }
0x93: {  	s3 =	sld [smem:$0x3FFC];
	_ =	sdelay $0x3  }
0x94: {  	_ =	strace s3  }
0x95: {  	s3 =	sld [smem:$0x3FFD];
	_ =	sdelay $0x3  }
0x96: {  	_ =	strace s3  }
0x97: {  	_ =	strace $0x8FFFFFFF  }
0x98: {  	s19 =	sld [smem:$0x3FDB];
	_ =	sdelay $0x1  }
0x99: {  	s4 =	simm.s32 $_scs_section_size  }
0x9a: {  	s5 =	simm.s32 $_size__tile_overlayer_lowered;
	s6 =	simm.s32 $_tile_overlayer_lowered  }
0x9b: {  	s22 =	simm.s32 $0x1BFF;
	s21 =	sshll.u32 s6, $0x1;
	s3 =	sadd.s32 s4, s19  }
0x9c: {  	s7 =	simm.s32 $0x0;
	s20 =	sshll.u32 s5, $0x1;
	s5 =	sadd.s32 s21, s3  }
0x9d: {  	[timem:s7], [sflag:s22] =	dma.local [hbm:s5], s20  }
0x9e: {  	_ =	swait.ge [sflag:s22], s20  }
0x9f: {  	s4 =	ssub.s32 $0x0, s20;
	[sflag:s22] =	ssyncset.done $0x0  }
0xa0: {  	[sflag:s22] =	ssyncadd.s32 s4;
	_ =	sdelay $0x1  }
0xa1: {  	s23 =	simm.s32 $0x1B8B  }
0xa2: {  	_ =	swait.ge [sflag:s23], $0x1  }
0xa3: {  	[sflag:s23] =	ssyncset.done $0x0  }
0xa4: {  	s25 =	simm.s32 $0x1B8E;
	s24 =	sld [smem:$0x3FFE];
	[sflag:s23] =	ssyncadd.s32 $0xFFFFFFFF  }
0xa5: {  	s26 =	simm.s32 $execute0_lowered;
	[smem:$0x3FD2] =	sst s25  }
0xa6: {  	s5 =	sshll.u32 s26, $0x1;
	_ =	strace $0x80000046;
	[dreg:$0x1] =	wrdreg $0xFFFFFFFF  }
0xa7: {  	s28 =	simm.s32 $_size_execute0_lowered;
	s3 =	sadd.s32 s3, s5;
	[dreg:$0x0] =	wrdreg $0x0  }
0xa8: {  	s5 =	sshll.u32 s28, $0x1;
	[dreg:$0x2] =	wrdreg s3  }
0xa9: {  	[dreg:$0x3] =	wrdreg s5  }
0xaa: {  	[dreg:$0x4] =	wrdreg $0xC0  }
0xab: {  	_ =	task [dreg:s7], $0x5FFFF  }
0xac: {  	[dreg:$0x1] =	wrdreg $0xFFFFFFFF  }
0xad: {  	[dreg:$0x0] =	wrdreg $0x60  }
0xae: {  	[dreg:$0x2] =	wrdreg s24  }
0xaf: {  	[dreg:$0x3] =	wrdreg s2  }
0xb0: {  	[dreg:$0x4] =	wrdreg $0x9  }
0xb1: {  	_ =	task.clear_ibuf [dreg:s7], $0x5FFFF;
	_ =	strace $0x90000046  }
0xb2: {  	s29 =	simm.s32 $0x9;
	_ =	strace $0x80000048  }
0xb3: {  	_ =	swait.ge [sflag:s29], $0x1  }
0xb4: {  	[sflag:s29] =	ssyncadd.s32 $0xFFFFFFFF  }
0xb5: {  	_ =	strace $0x90000048  }
0xb6: {  	_ =	sfence  }
0xb7: {  	s30 =	sld [smem:$0x0];
	_ =	sdelay $0x2  }
0xb8: {  	s31 =	sshll.u32 s1, $0xD;
	s1 =	sshrl.u32 s1, $0x2  }
0xb9: {  	s3 =	sand.u32 $0x4000, s31;
	s1 =	sadd.s32 s1, s30  }
0xba: {  	s0 =	sor.u32 s3, s0;
	s1 =	sshll.u32 s1, $0x11  }
0xbb: {  	s0 =	sor.u32 s1, s0  }
0xbc: {  	s0 =	sadd.s32 $0x8F2B, s0  }
0xbd: {  	[sflag:s0] =	ssyncadd.remote.s32 $0x1  }
0xbe: {  	_ =	sfence.sel $0xFFFF  }
0xbf: {  	[dreg:$0x0] =	wrdreg $0xFFFFFFFF;
	(pc) =	sbr.abs _section_cstart, $3  }
0xc0: {  	[dreg:$0x1] =	wrdreg $0xFFFFFFFF  }
0xc1: {  	_ =	task.clear_ibuf [dreg:s7], $0x2FFFF;
	_ =	strace $0x9FFFFFFF  }
0xc2: {  	(tm) =	ssettm $0x7FFFFFFF  }
0xc3: {  	_ =	shalt  }
tec
execute0_lowered:
.L_overlay_start_1:
0x0: {  	(tag) =	ssettag $0x1  }
0x1: {  	s0 =	srdreg.scid;
	s4 =	stileid.u32  }
0x2: {  	s2 =	rddreg [dreg:$0x0];
	s3 =	simm.s32 $0x0;
	s9 =	simm.s32 $0x6400  }
0x3: {  	s10 =	simm.s32 $0x8400;
	s12 =	simm.s32 $0xA400;
	s14 =	simm.s32 $0xC400  }
0x4: {  	s15 =	simm.s32 $0xE400;
	s16 =	simm.s32 $0x1;
	s5 =	smul.u32 $0x320000, s4  }
0x5: {  	s0 =	sand.u32 $0x1, s0;
	s1 =	sshll.u32 s4, $0x1;
	s7 =	smul.u32 $0xC800, s4  }
0x6: {  	[smem:$0x7FF] =	sst s3;
	s4 =	sadd.s32 $0xF42E00, s2;
	s6 =	smul.u32 $0x190000, s0  }
0x7: {  	s1 =	sor.u32 s0, s1;
	s8 =	smul.u32 $0x6400, s0;
	s0 =	ssub.s32 $0x2, s0  }
0x8: {  	_ =	strace $0x80000047;
	s1 =	smul.u32 $0x6400, s1;
	s19 =	sshrl.u32 s0, $0x1  }
0x9: {  	s17 =	sadd.s32 s6, s5;
	s18 =	sadd.s32 s8, s7;
	s0 =	ssub.s32 s0, s19  }
0xa: {  	s8 =	simm.s32 $0x80;
	s19 =	simm.s32 $0x12400;
	s1 =	sshrl.u32 s1, $0x3  }
0xb: {  	s20 =	sshrl.u32 s17, $0x3;
	s5 =	sshll.u32 s18, $0x3;
	s24 =	sor.u32 $0xE000, s17  }
0xc: {  	s26 =	sor.u32 $0xC000, s17;
	s29 =	sor.u32 $0xA000, s17;
	s0 =	smax.u32 s0, $0x1  }
0xd: {  	s18 =	simm.s32 $0x2;
	s1 =	sadd.s32 s1, s2;
	[dreg:$0x3] =	wrdreg s20  }
0xe: {  	s21 =	sor.u32 $0xC00, s5;
	s22 =	sor.u32 $0x800, s5;
	[dreg:$0xc] =	wrdreg s0  }
0xf: {  	s23 =	sor.u32 $0x400, s5;
	s25 =	sshrl.u32 s24, $0x3;
	[dreg:$0x4] =	wrdreg s21  }
0x10: {  	s28 =	sshrl.u32 s26, $0x3;
	s30 =	sshrl.u32 s29, $0x3;
	[dreg:$0x5] =	wrdreg s22  }
0x11: {  	s2 =	sor.u32 $0x8000, s17;
	s17 =	simm.s32 $0x10400;
	[dreg:$0x6] =	wrdreg s23  }
0x12: {  	s20 =	simm.s32 $0x3;
	s24 =	simm.s32 $0x6;
	[dreg:$0x7] =	wrdreg s25  }
0x13: {  	s26 =	simm.s32 $0x8;
	s5 =	simm.s32 $0x0;
	[dreg:$0x8] =	wrdreg s28  }
0x14: {  	s1 =	sadd.s32 $0xA00, s1;
	[dreg:$0x9] =	wrdreg s30;
	s31 =	sshrl.u32 s2, $0x3  }
0x15: {  	s21 =	simm.s32 $0x14400;
	s22 =	simm.s32 $0x4;
	[dreg:$0xb] =	wrdreg s1  }
0x16: {  	s23 =	simm.s32 $0x5;
	s25 =	simm.s32 $0x7;
	[dreg:$0xa] =	wrdreg s31  }
.LBB2_1:
0x17: {  	s0 =	rddreg [dreg:$0xb];
	s2 =	simm.s32 $0x11  }
0x18: {  	[tilespmem:s3], [sflag:$0x11] =	stream.linear.gather [hbm4b:s0+s3], $0x6400, $0x38;
	[tilespmem:$0x16400] =	vst v63  }
0x19: {  	_ =	swait.ge [sflag:s2], $0x6400  }
0x1a: {  	[sflag:s2] =	ssyncset.done $0x0  }
0x1b: {  	[sflag:s2] =	ssyncadd.s32 $0xFFFF9C00  }
0x1c: {  	[tilespmem:s9], [sflag:$0x1] =	stream.indirect.gather [hbm4b:s4+s8], $0x40, s3, s8, $0xb8;
	[tilespmem:$0x16400] =	vst v63  }
0x1d: {  	p0 =	por $0x1, $0x1  }
0x1e: {  	[tilespmem:s10], [sflag:$0x2] =	stream.indirect.gather [hbm4b:s4+s8], $0x40, s8, s8, $0xb8;
	[tilespmem:$0x16400] =	vst v63  }
0x1f: {  	s6 =	simm.s32 $0x100;
	p0 =	por p0, p0  }
0x20: {  	[tilespmem:s12], [sflag:$0x3] =	stream.indirect.gather [hbm4b:s4+s8], $0x40, s6, s8, $0xb8;
	[tilespmem:$0x16400] =	vst v63  }
0x21: {  	s7 =	simm.s32 $0x180;
	s1 =	simm.s32 @!p0 $0xD  }
0x22: {  	[tilespmem:s14], [sflag:$0x4] =	stream.indirect.gather [hbm4b:s4+s8], $0x40, s7, s8, $0xb8;
	[tilespmem:$0x16400] =	vst v63  }
0x23: {  	_ =	swait.ge @!p0 [sflag:s1], $0x2000  }
0x24: {  	[sflag:s1] =	ssyncset.done @!p0 $0x0  }
0x25: {  	s11 =	simm.s32 $0x200;
	[sflag:s1] =	ssyncadd.s32 @!p0 $0xFFFFE000  }
0x26: {  	[tilespmem:s15], [sflag:$0x5] =	stream.indirect.gather [hbm4b:s4+s8], $0x40, s11, s8, $0xb8;
	[tilespmem:$0x16400] =	vst v63  }
0x27: {  	_ =	swait.ge [sflag:s16], $0x2000  }
0x28: {  	[sflag:s16] =	ssyncset.done $0x0  }
0x29: {  	s13 =	rddreg [dreg:$0x3];
	[sflag:s16] =	ssyncadd.s32 $0xFFFFE000  }
0x2a: {  	s0 =	rddreg [dreg:$0x1]  }
0x2b: {  	s2 =	simm.s32 @!p0 $0xE;
	s1 =	sadd.s32 s0, s13  }
0x2c: {  	[hbm4b:s1+s3] =	stream.linear.scatter [tilespmem:s9], [sflag:$0x9], $0x2000, $0x38;
	[tilespmem:$0x16400] =	vst v63  }
0x2d: {  	_ =	swait.ge @!p0 [sflag:s2], $0x2000  }
0x2e: {  	[sflag:s2] =	ssyncset.done @!p0 $0x0  }
0x2f: {  	s29 =	simm.s32 $0x280;
	[sflag:s2] =	ssyncadd.s32 @!p0 $0xFFFFE000  }
0x30: {  	[tilespmem:s17], [sflag:$0x6] =	stream.indirect.gather [hbm4b:s4+s8], $0x40, s29, s8, $0xb8;
	[tilespmem:$0x16400] =	vst v63  }
0x31: {  	_ =	swait.ge [sflag:s18], $0x2000  }
0x32: {  	s31 =	rddreg [dreg:$0x6];
	[sflag:s18] =	ssyncset.done $0x0  }
0x33: {  	s2 =	simm.s32 @!p0 $0xF;
	[sflag:s18] =	ssyncadd.s32 $0xFFFFE000;
	s1 =	sadd.s32 s0, s31  }
0x34: {  	[hbm4b:s1+s3] =	stream.linear.scatter [tilespmem:s10], [sflag:$0xA], $0x2000, $0x38;
	[tilespmem:$0x16400] =	vst v63  }
0x35: {  	_ =	swait.ge @!p0 [sflag:s2], $0x2000  }
0x36: {  	[sflag:s2] =	ssyncset.done @!p0 $0x0  }
0x37: {  	[sflag:s2] =	ssyncadd.s32 @!p0 $0xFFFFE000;
	s2 =	simm.s32 $0x300  }
0x38: {  	[tilespmem:s19], [sflag:$0x7] =	stream.indirect.gather [hbm4b:s4+s8], $0x40, s2, s8, $0xb8;
	[tilespmem:$0x16400] =	vst v63  }
0x39: {  	_ =	swait.ge [sflag:s20], $0x2000  }
0x3a: {  	s6 =	rddreg [dreg:$0x5];
	[sflag:s20] =	ssyncset.done $0x0  }
0x3b: {  	s2 =	simm.s32 @!p0 $0x10;
	[sflag:s20] =	ssyncadd.s32 $0xFFFFE000;
	s1 =	sadd.s32 s0, s6  }
0x3c: {  	[hbm4b:s1+s3] =	stream.linear.scatter [tilespmem:s12], [sflag:$0xB], $0x2000, $0x38;
	[tilespmem:$0x16400] =	vst v63  }
0x3d: {  	_ =	swait.ge @!p0 [sflag:s2], $0x2000  }
0x3e: {  	[sflag:s2] =	ssyncset.done @!p0 $0x0  }
0x3f: {  	s7 =	simm.s32 $0x380;
	[sflag:s2] =	ssyncadd.s32 @!p0 $0xFFFFE000  }
0x40: {  	[tilespmem:s21], [sflag:$0x8] =	stream.indirect.gather [hbm4b:s4+s8], $0x40, s7, s8, $0xb8;
	[tilespmem:$0x16400] =	vst v63  }
0x41: {  	_ =	swait.ge [sflag:s22], $0x2000  }
0x42: {  	s11 =	rddreg [dreg:$0x4];
	[sflag:s22] =	ssyncset.done $0x0  }
0x43: {  	p0 =	por $0x0, $0x0;
	[sflag:s22] =	ssyncadd.s32 $0xFFFFE000;
	s1 =	sadd.s32 s0, s11  }
0x44: {  	[hbm4b:s1+s3] =	stream.linear.scatter [tilespmem:s14], [sflag:$0xC], $0x2000, $0x38;
	[tilespmem:$0x16400] =	vst v63  }
0x45: {  	s1 =	simm.s32 @!p0 $0x9  }
0x46: {  	_ =	swait.ge @!p0 [sflag:s1], $0x2000  }
0x47: {  	s2 =	simm.s32 @!p0 $0x400;
	[sflag:s1] =	ssyncset.done @!p0 $0x0  }
0x48: {  	s6 =	simm.s32 @!p0 $0x80;
	s7 =	simm.s32 @!p0 $0x6400;
	[sflag:s1] =	ssyncadd.s32 @!p0 $0xFFFFE000  }
0x49: {  	[tilespmem:s7], [sflag:$0x1] =	stream.indirect.gather @!p0 [hbm4b:s4+s6], $0x40, s2, s6, $0xb8;
	[tilespmem:$0x16400] =	vst v63  }
0x4a: {  	_ =	swait.ge [sflag:s23], $0x2000  }
0x4b: {  	s13 =	rddreg [dreg:$0xa];
	[sflag:s23] =	ssyncset.done $0x0  }
0x4c: {  	s2 =	simm.s32 @!p0 $0xA;
	[sflag:s23] =	ssyncadd.s32 $0xFFFFE000;
	s1 =	sadd.s32 s0, s13  }
0x4d: {  	[hbm4b:s1+s3] =	stream.linear.scatter [tilespmem:s15], [sflag:$0xD], $0x2000, $0x38;
	[tilespmem:$0x16400] =	vst v63  }
0x4e: {  	_ =	swait.ge @!p0 [sflag:s2], $0x2000  }
0x4f: {  	[sflag:s2] =	ssyncset.done @!p0 $0x0  }
0x50: {  	s7 =	simm.s32 @!p0 $0x8400;
	s1 =	simm.s32 @!p0 $0x480;
	[sflag:s2] =	ssyncadd.s32 @!p0 $0xFFFFE000  }
0x51: {  	[tilespmem:s7], [sflag:$0x2] =	stream.indirect.gather @!p0 [hbm4b:s4+s6], $0x40, s1, s6, $0xb8;
	[tilespmem:$0x16400] =	vst v63  }
0x52: {  	_ =	swait.ge [sflag:s24], $0x2000  }
0x53: {  	s29 =	rddreg [dreg:$0x9];
	[sflag:s24] =	ssyncset.done $0x0  }
0x54: {  	s2 =	simm.s32 @!p0 $0xB;
	[sflag:s24] =	ssyncadd.s32 $0xFFFFE000;
	s1 =	sadd.s32 s0, s29  }
0x55: {  	[hbm4b:s1+s3] =	stream.linear.scatter [tilespmem:s17], [sflag:$0xE], $0x2000, $0x38;
	[tilespmem:$0x16400] =	vst v63  }
0x56: {  	_ =	swait.ge @!p0 [sflag:s2], $0x2000  }
0x57: {  	[sflag:s2] =	ssyncset.done @!p0 $0x0  }
0x58: {  	s7 =	simm.s32 @!p0 $0xA400;
	s1 =	simm.s32 @!p0 $0x500;
	[sflag:s2] =	ssyncadd.s32 @!p0 $0xFFFFE000  }
0x59: {  	[tilespmem:s7], [sflag:$0x3] =	stream.indirect.gather @!p0 [hbm4b:s4+s6], $0x40, s1, s6, $0xb8;
	[tilespmem:$0x16400] =	vst v63  }
0x5a: {  	_ =	swait.ge [sflag:s25], $0x2000  }
0x5b: {  	s31 =	rddreg [dreg:$0x8];
	[sflag:s25] =	ssyncset.done $0x0  }
0x5c: {  	s2 =	simm.s32 @!p0 $0xC;
	[sflag:s25] =	ssyncadd.s32 $0xFFFFE000;
	s1 =	sadd.s32 s0, s31  }
0x5d: {  	[hbm4b:s1+s3] =	stream.linear.scatter [tilespmem:s19], [sflag:$0xF], $0x2000, $0x38;
	[tilespmem:$0x16400] =	vst v63  }
0x5e: {  	_ =	swait.ge @!p0 [sflag:s2], $0x2000  }
0x5f: {  	p6 =	por $0x0, $0x0;
	s28 =	simm.s32 @!p0 $0xC400;
	[sflag:s2] =	ssyncset.done @!p0 $0x0  }
0x60: {  	s7 =	simm.s32 $0x1000;
	s1 =	simm.s32 @!p0 $0x580;
	[sflag:s2] =	ssyncadd.s32 @!p0 $0xFFFFE000  }
0x61: {  	[tilespmem:s28], [sflag:$0x4] =	stream.indirect.gather @!p0 [hbm4b:s4+s6], $0x40, s1, s6, $0xb8;
	[tilespmem:$0x16400] =	vst v63  }
0x62: {  	s2 =	smov.u32 s0;
	s28 =	simm.s32 $0x2000;
	_ =	swait.ge [sflag:s26], $0x2000  }
0x63: {  	p0 =	por p6, p6;
	s6 =	sadd.s32 $0x2000, s0;
	[sflag:s26] =	ssyncset.done $0x0  }
0x64: {  	s1 =	simm.s32 @!p0 $0xD;
	s30 =	rddreg [dreg:$0x7];
	[sflag:s26] =	ssyncadd.s32 $0xFFFFE000  }
.LBB2_2:
0x65: {  	s31 =	sadd.s32 s2, s30  }
0x66: {  	[hbm4b:s31+s3] =	stream.linear.scatter [tilespmem:s21], [sflag:$0x10], $0x2000, $0x38;
	[tilespmem:$0x16400] =	vst v63  }
0x67: {  	_ =	swait.ge @!p0 [sflag:s1], $0x2000  }
0x68: {  	s31 =	sshra.s32 s7, $0x2;
	[sflag:s1] =	ssyncset.done @!p0 $0x0  }
0x69: {  	s29 =	sadd.s32 $0x200, s31;
	[sflag:s1] =	ssyncadd.s32 @!p0 $0xFFFFE000  }
0x6a: {  	[tilespmem:s15], [sflag:$0x5] =	stream.indirect.gather [hbm4b:s4+s8], $0x40, s29, s8, $0xb8;
	[tilespmem:$0x16400] =	vst v63  }
0x6b: {  	_ =	swait.ge [sflag:s16], $0x2000  }
0x6c: {  	s0 =	rddreg [dreg:$0x3];
	[sflag:s16] =	ssyncset.done $0x0  }
0x6d: {  	[sflag:s16] =	ssyncadd.s32 $0xFFFFE000;
	s1 =	sadd.s32 s6, s0;
	s0 =	simm.s32 @!p0 $0xE  }
0x6e: {  	[hbm4b:s1+s3] =	stream.linear.scatter [tilespmem:s9], [sflag:$0x9], $0x2000, $0x38;
	[tilespmem:$0x16400] =	vst v63  }
0x6f: {  	_ =	swait.ge @!p0 [sflag:s0], $0x2000  }
0x70: {  	[sflag:s0] =	ssyncset.done @!p0 $0x0  }
0x71: {  	s1 =	sadd.s32 $0x280, s31;
	[sflag:s0] =	ssyncadd.s32 @!p0 $0xFFFFE000  }
0x72: {  	[tilespmem:s17], [sflag:$0x6] =	stream.indirect.gather [hbm4b:s4+s8], $0x40, s1, s8, $0xb8;
	[tilespmem:$0x16400] =	vst v63  }
0x73: {  	_ =	swait.ge [sflag:s18], $0x2000  }
0x74: {  	s11 =	rddreg [dreg:$0x6];
	[sflag:s18] =	ssyncset.done $0x0  }
0x75: {  	s1 =	simm.s32 @!p0 $0xF;
	[sflag:s18] =	ssyncadd.s32 $0xFFFFE000;
	s0 =	sadd.s32 s6, s11  }
0x76: {  	[hbm4b:s0+s3] =	stream.linear.scatter [tilespmem:s10], [sflag:$0xA], $0x2000, $0x38;
	[tilespmem:$0x16400] =	vst v63  }
0x77: {  	_ =	swait.ge @!p0 [sflag:s1], $0x2000  }
0x78: {  	[sflag:s1] =	ssyncset.done @!p0 $0x0  }
0x79: {  	s13 =	sadd.s32 $0x300, s31;
	[sflag:s1] =	ssyncadd.s32 @!p0 $0xFFFFE000  }
0x7a: {  	[tilespmem:s19], [sflag:$0x7] =	stream.indirect.gather [hbm4b:s4+s8], $0x40, s13, s8, $0xb8;
	[tilespmem:$0x16400] =	vst v63  }
0x7b: {  	_ =	swait.ge [sflag:s20], $0x2000  }
0x7c: {  	s29 =	rddreg [dreg:$0x5];
	[sflag:s20] =	ssyncset.done $0x0  }
0x7d: {  	s1 =	simm.s32 @!p0 $0x10;
	[sflag:s20] =	ssyncadd.s32 $0xFFFFE000;
	s0 =	sadd.s32 s6, s29  }
0x7e: {  	[hbm4b:s0+s3] =	stream.linear.scatter [tilespmem:s12], [sflag:$0xB], $0x2000, $0x38;
	[tilespmem:$0x16400] =	vst v63  }
0x7f: {  	_ =	swait.ge @!p0 [sflag:s1], $0x2000  }
0x80: {  	[sflag:s1] =	ssyncset.done @!p0 $0x0  }
0x81: {  	s31 =	sadd.s32 $0x380, s31;
	[sflag:s1] =	ssyncadd.s32 @!p0 $0xFFFFE000  }
0x82: {  	[tilespmem:s21], [sflag:$0x8] =	stream.indirect.gather [hbm4b:s4+s8], $0x40, s31, s8, $0xb8;
	[tilespmem:$0x16400] =	vst v63  }
0x83: {  	p2 =	seq.s32 s28, $0x0;
	_ =	swait.ge [sflag:s22], $0x2000  }
0x84: {  	p0 =	por p2, p2;
	s1 =	rddreg [dreg:$0x4];
	[sflag:s22] =	ssyncset.done $0x0  }
0x85: {  	p2 =	seq.s32 s7, $0x18000;
	[sflag:s22] =	ssyncadd.s32 $0xFFFFE000;
	s0 =	sadd.s32 s6, s1  }
0x86: {  	[hbm4b:s0+s3] =	stream.linear.scatter [tilespmem:s14], [sflag:$0xC], $0x2000, $0x38;
	[tilespmem:$0x16400] =	vst v63  }
0x87: {  	s0 =	simm.s32 @!p2 $0x9  }
0x88: {  	s30 =	smov.u32 s28;
	s29 =	simm.s32 @!p2 $0x6400;
	_ =	swait.ge @!p2 [sflag:s0], $0x2000  }
0x89: {  	s1 =	sshra.s32 @!p2 s7, $0x2;
	s7 =	smov.u32 s30;
	[sflag:s0] =	ssyncset.done @!p2 $0x0  }
0x8a: {  	s30 =	simm.s32 @!p2 $0x80;
	s11 =	sadd.s32 @!p2 $0x400, s1;
	[sflag:s0] =	ssyncadd.s32 @!p2 $0xFFFFE000  }
0x8b: {  	[tilespmem:s29], [sflag:$0x1] =	stream.indirect.gather @!p2 [hbm4b:s4+s30], $0x40, s11, s30, $0xb8;
	[tilespmem:$0x16400] =	vst v63  }
0x8c: {  	s13 =	sadd.s32 @!p2 $0x480, s1;
	s31 =	sadd.s32 @!p2 $0x580, s1;
	_ =	swait.ge [sflag:s23], $0x2000  }
0x8d: {  	s0 =	sadd.s32 @!p2 $0x500, s1;
	s11 =	rddreg [dreg:$0xa];
	[sflag:s23] =	ssyncset.done $0x0  }
0x8e: {  	[sflag:s23] =	ssyncadd.s32 $0xFFFFE000;
	s1 =	sadd.s32 s6, s11;
	s11 =	simm.s32 @!p2 $0xA  }
0x8f: {  	[hbm4b:s1+s3] =	stream.linear.scatter [tilespmem:s15], [sflag:$0xD], $0x2000, $0x38;
	[tilespmem:$0x16400] =	vst v63  }
0x90: {  	_ =	swait.ge @!p2 [sflag:s11], $0x2000  }
0x91: {  	[sflag:s11] =	ssyncset.done @!p2 $0x0  }
0x92: {  	s1 =	simm.s32 @!p2 $0x8400;
	[sflag:s11] =	ssyncadd.s32 @!p2 $0xFFFFE000  }
0x93: {  	[tilespmem:s1], [sflag:$0x2] =	stream.indirect.gather @!p2 [hbm4b:s4+s30], $0x40, s13, s30, $0xb8;
	[tilespmem:$0x16400] =	vst v63  }
0x94: {  	_ =	swait.ge [sflag:s24], $0x2000  }
0x95: {  	s13 =	rddreg [dreg:$0x9];
	[sflag:s24] =	ssyncset.done $0x0  }
0x96: {  	s11 =	simm.s32 @!p2 $0xB;
	[sflag:s24] =	ssyncadd.s32 $0xFFFFE000;
	s1 =	sadd.s32 s6, s13  }
0x97: {  	[hbm4b:s1+s3] =	stream.linear.scatter [tilespmem:s17], [sflag:$0xE], $0x2000, $0x38;
	[tilespmem:$0x16400] =	vst v63  }
0x98: {  	_ =	swait.ge @!p2 [sflag:s11], $0x2000  }
0x99: {  	[sflag:s11] =	ssyncset.done @!p2 $0x0  }
0x9a: {  	s1 =	simm.s32 @!p2 $0xA400;
	[sflag:s11] =	ssyncadd.s32 @!p2 $0xFFFFE000  }
0x9b: {  	[tilespmem:s1], [sflag:$0x3] =	stream.indirect.gather @!p2 [hbm4b:s4+s30], $0x40, s0, s30, $0xb8;
	[tilespmem:$0x16400] =	vst v63  }
0x9c: {  	_ =	swait.ge [sflag:s25], $0x2000  }
0x9d: {  	s29 =	rddreg [dreg:$0x8];
	[sflag:s25] =	ssyncset.done $0x0  }
0x9e: {  	s1 =	simm.s32 @!p2 $0xC;
	[sflag:s25] =	ssyncadd.s32 $0xFFFFE000;
	s0 =	sadd.s32 s6, s29  }
0x9f: {  	[hbm4b:s0+s3] =	stream.linear.scatter [tilespmem:s19], [sflag:$0xF], $0x2000, $0x38;
	[tilespmem:$0x16400] =	vst v63  }
0xa0: {  	s28 =	sadd.s32 $0x1000, s28;
	_ =	swait.ge @!p2 [sflag:s1], $0x2000  }
0xa1: {  	p1 =	sne.s32 s28, $0x19000;
	[sflag:s1] =	ssyncset.done @!p2 $0x0  }
.Ltmp0:
0xa2: {  	s0 =	simm.s32 @!p2 $0xC400;
	[sflag:s1] =	ssyncadd.s32 @!p2 $0xFFFFE000;
	(pc) =	sbr.rel @p1 .LBB2_2-.Ltmp0, $4  }
0xa3: {  	[tilespmem:s0], [sflag:$0x4] =	stream.indirect.gather @!p2 [hbm4b:s4+s30], $0x40, s31, s30, $0xb8;
	[tilespmem:$0x16400] =	vst v63  }
0xa4: {  	_ =	swait.ge [sflag:s26], $0x2000  }
0xa5: {  	s2 =	smov.u32 s6;
	s6 =	sadd.s32 $0x2000, s6;
	[sflag:s26] =	ssyncset.done $0x0  }
0xa6: {  	s1 =	simm.s32 @!p0 $0xD;
	s30 =	rddreg [dreg:$0x7];
	[sflag:s26] =	ssyncadd.s32 $0xFFFFE000  }
0xa7: {  	s0 =	sadd.s32 s2, s30  }
0xa8: {  	[hbm4b:s0+s3] =	stream.linear.scatter [tilespmem:s21], [sflag:$0x10], $0x2000, $0x38;
	[tilespmem:$0x16400] =	vst v63  }
0xa9: {  	_ =	swait.ge @!p0 [sflag:s1], $0x2000  }
0xaa: {  	s28 =	sshra.s32 s7, $0x2;
	[sflag:s1] =	ssyncset.done @!p0 $0x0  }
0xab: {  	s29 =	sadd.s32 $0x200, s28;
	[sflag:s1] =	ssyncadd.s32 @!p0 $0xFFFFE000  }
0xac: {  	[tilespmem:s15], [sflag:$0x5] =	stream.indirect.gather [hbm4b:s4+s8], $0x40, s29, s8, $0xb8;
	[tilespmem:$0x16400] =	vst v63  }
0xad: {  	_ =	swait.ge [sflag:s16], $0x2000  }
0xae: {  	s30 =	rddreg [dreg:$0x3];
	[sflag:s16] =	ssyncset.done $0x0  }
0xaf: {  	s2 =	simm.s32 @!p0 $0xE;
	[sflag:s16] =	ssyncadd.s32 $0xFFFFE000;
	s1 =	sadd.s32 s6, s30  }
0xb0: {  	[hbm4b:s1+s3] =	stream.linear.scatter [tilespmem:s9], [sflag:$0x9], $0x2000, $0x38;
	[tilespmem:$0x16400] =	vst v63  }
0xb1: {  	_ =	swait.ge @!p0 [sflag:s2], $0x2000  }
0xb2: {  	[sflag:s2] =	ssyncset.done @!p0 $0x0  }
0xb3: {  	s31 =	sadd.s32 $0x280, s28;
	[sflag:s2] =	ssyncadd.s32 @!p0 $0xFFFFE000  }
0xb4: {  	[tilespmem:s17], [sflag:$0x6] =	stream.indirect.gather [hbm4b:s4+s8], $0x40, s31, s8, $0xb8;
	[tilespmem:$0x16400] =	vst v63  }
0xb5: {  	_ =	swait.ge [sflag:s18], $0x2000  }
0xb6: {  	s2 =	rddreg [dreg:$0x6];
	[sflag:s18] =	ssyncset.done $0x0  }
0xb7: {  	[sflag:s18] =	ssyncadd.s32 $0xFFFFE000;
	s1 =	sadd.s32 s6, s2;
	s2 =	simm.s32 @!p0 $0xF  }
0xb8: {  	[hbm4b:s1+s3] =	stream.linear.scatter [tilespmem:s10], [sflag:$0xA], $0x2000, $0x38;
	[tilespmem:$0x16400] =	vst v63  }
0xb9: {  	_ =	swait.ge @!p0 [sflag:s2], $0x2000  }
0xba: {  	[sflag:s2] =	ssyncset.done @!p0 $0x0  }
0xbb: {  	s11 =	sadd.s32 $0x300, s28;
	[sflag:s2] =	ssyncadd.s32 @!p0 $0xFFFFE000  }
0xbc: {  	[tilespmem:s19], [sflag:$0x7] =	stream.indirect.gather [hbm4b:s4+s8], $0x40, s11, s8, $0xb8;
	[tilespmem:$0x16400] =	vst v63  }
0xbd: {  	_ =	swait.ge [sflag:s20], $0x2000  }
0xbe: {  	s13 =	rddreg [dreg:$0x5];
	[sflag:s20] =	ssyncset.done $0x0  }
0xbf: {  	s2 =	simm.s32 @!p0 $0x10;
	[sflag:s20] =	ssyncadd.s32 $0xFFFFE000;
	s1 =	sadd.s32 s6, s13  }
0xc0: {  	[hbm4b:s1+s3] =	stream.linear.scatter [tilespmem:s12], [sflag:$0xB], $0x2000, $0x38;
	[tilespmem:$0x16400] =	vst v63  }
0xc1: {  	_ =	swait.ge @!p0 [sflag:s2], $0x2000  }
0xc2: {  	[sflag:s2] =	ssyncset.done @!p0 $0x0  }
0xc3: {  	s0 =	sadd.s32 $0x380, s28;
	[sflag:s2] =	ssyncadd.s32 @!p0 $0xFFFFE000  }
0xc4: {  	[tilespmem:s21], [sflag:$0x8] =	stream.indirect.gather [hbm4b:s4+s8], $0x40, s0, s8, $0xb8;
	[tilespmem:$0x16400] =	vst v63  }
0xc5: {  	_ =	swait.ge [sflag:s22], $0x2000  }
0xc6: {  	s28 =	rddreg [dreg:$0x4];
	[sflag:s22] =	ssyncset.done $0x0  }
0xc7: {  	p0 =	seq.s32 s7, $0x18000;
	[sflag:s22] =	ssyncadd.s32 $0xFFFFE000;
	s0 =	sadd.s32 s6, s28  }
0xc8: {  	[hbm4b:s0+s3] =	stream.linear.scatter [tilespmem:s14], [sflag:$0xC], $0x2000, $0x38;
	[tilespmem:$0x16400] =	vst v63  }
0xc9: {  	s0 =	simm.s32 @!p0 $0x9  }
0xca: {  	_ =	swait.ge @!p0 [sflag:s0], $0x2000  }
0xcb: {  	s1 =	sshra.s32 @!p0 s7, $0x2;
	s7 =	simm.s32 @!p0 $0x80;
	[sflag:s0] =	ssyncset.done @!p0 $0x0  }
0xcc: {  	s2 =	sadd.s32 @!p0 $0x400, s1;
	[sflag:s0] =	ssyncadd.s32 @!p0 $0xFFFFE000;
	s0 =	simm.s32 @!p0 $0x6400  }
0xcd: {  	[tilespmem:s0], [sflag:$0x1] =	stream.indirect.gather @!p0 [hbm4b:s4+s7], $0x40, s2, s7, $0xb8;
	[tilespmem:$0x16400] =	vst v63  }
0xce: {  	_ =	swait.ge [sflag:s23], $0x2000  }
0xcf: {  	s29 =	rddreg [dreg:$0xa];
	[sflag:s23] =	ssyncset.done $0x0  }
0xd0: {  	s2 =	simm.s32 @!p0 $0xA;
	[sflag:s23] =	ssyncadd.s32 $0xFFFFE000;
	s0 =	sadd.s32 s6, s29  }
0xd1: {  	[hbm4b:s0+s3] =	stream.linear.scatter [tilespmem:s15], [sflag:$0xD], $0x2000, $0x38;
	[tilespmem:$0x16400] =	vst v63  }
0xd2: {  	_ =	swait.ge @!p0 [sflag:s2], $0x2000  }
0xd3: {  	[sflag:s2] =	ssyncset.done @!p0 $0x0  }
0xd4: {  	s0 =	sadd.s32 @!p0 $0x480, s1;
	[sflag:s2] =	ssyncadd.s32 @!p0 $0xFFFFE000;
	s2 =	simm.s32 @!p0 $0x8400  }
0xd5: {  	[tilespmem:s2], [sflag:$0x2] =	stream.indirect.gather @!p0 [hbm4b:s4+s7], $0x40, s0, s7, $0xb8;
	[tilespmem:$0x16400] =	vst v63  }
0xd6: {  	_ =	swait.ge [sflag:s24], $0x2000  }
0xd7: {  	s30 =	rddreg [dreg:$0x9];
	[sflag:s24] =	ssyncset.done $0x0  }
0xd8: {  	s2 =	simm.s32 @!p0 $0xB;
	[sflag:s24] =	ssyncadd.s32 $0xFFFFE000;
	s0 =	sadd.s32 s6, s30  }
0xd9: {  	[hbm4b:s0+s3] =	stream.linear.scatter [tilespmem:s17], [sflag:$0xE], $0x2000, $0x38;
	[tilespmem:$0x16400] =	vst v63  }
0xda: {  	_ =	swait.ge @!p0 [sflag:s2], $0x2000  }
0xdb: {  	[sflag:s2] =	ssyncset.done @!p0 $0x0  }
0xdc: {  	s0 =	sadd.s32 @!p0 $0x500, s1;
	[sflag:s2] =	ssyncadd.s32 @!p0 $0xFFFFE000;
	s2 =	simm.s32 @!p0 $0xA400  }
0xdd: {  	[tilespmem:s2], [sflag:$0x3] =	stream.indirect.gather @!p0 [hbm4b:s4+s7], $0x40, s0, s7, $0xb8;
	[tilespmem:$0x16400] =	vst v63  }
0xde: {  	_ =	swait.ge [sflag:s25], $0x2000  }
0xdf: {  	s31 =	rddreg [dreg:$0x8];
	[sflag:s25] =	ssyncset.done $0x0  }
0xe0: {  	[sflag:s25] =	ssyncadd.s32 $0xFFFFE000;
	s0 =	sadd.s32 s6, s31  }
0xe1: {  	[hbm4b:s0+s3] =	stream.linear.scatter [tilespmem:s19], [sflag:$0xF], $0x2000, $0x38;
	[tilespmem:$0x16400] =	vst v63  }
0xe2: {  	s0 =	simm.s32 @!p0 $0xC  }
0xe3: {  	_ =	swait.ge @!p0 [sflag:s0], $0x2000  }
0xe4: {  	[sflag:s0] =	ssyncset.done @!p0 $0x0  }
0xe5: {  	s1 =	sadd.s32 @!p0 $0x580, s1;
	[sflag:s0] =	ssyncadd.s32 @!p0 $0xFFFFE000;
	s0 =	simm.s32 @!p0 $0xC400  }
0xe6: {  	[tilespmem:s0], [sflag:$0x4] =	stream.indirect.gather @!p0 [hbm4b:s4+s7], $0x40, s1, s7, $0xb8;
	[tilespmem:$0x16400] =	vst v63  }
0xe7: {  	_ =	swait.ge [sflag:s26], $0x2000  }
0xe8: {  	s1 =	rddreg [dreg:$0x7];
	[sflag:s26] =	ssyncset.done $0x0  }
0xe9: {  	s2 =	simm.s32 $0x9;
	s0 =	sadd.s32 s6, s1;
	[sflag:s26] =	ssyncadd.s32 $0xFFFFE000  }
0xea: {  	[hbm4b:s0+s3] =	stream.linear.scatter [tilespmem:s21], [sflag:$0x10], $0x2000, $0x38;
	[tilespmem:$0x16400] =	vst v63  }
0xeb: {  	_ =	swait.ge [sflag:s2], $0x2000  }
0xec: {  	[sflag:s2] =	ssyncset.done $0x0  }
0xed: {  	s6 =	simm.s32 $0xA;
	[sflag:s2] =	ssyncadd.s32 $0xFFFFE000  }
0xee: {  	_ =	swait.ge [sflag:s6], $0x2000  }
0xef: {  	[sflag:s6] =	ssyncset.done $0x0  }
0xf0: {  	s7 =	simm.s32 $0xB;
	[sflag:s6] =	ssyncadd.s32 $0xFFFFE000  }
0xf1: {  	_ =	swait.ge [sflag:s7], $0x2000  }
0xf2: {  	[sflag:s7] =	ssyncset.done $0x0  }
0xf3: {  	s11 =	simm.s32 $0xC;
	[sflag:s7] =	ssyncadd.s32 $0xFFFFE000  }
0xf4: {  	_ =	swait.ge [sflag:s11], $0x2000  }
0xf5: {  	[sflag:s11] =	ssyncset.done $0x0  }
0xf6: {  	s13 =	simm.s32 $0xD;
	[sflag:s11] =	ssyncadd.s32 $0xFFFFE000  }
0xf7: {  	_ =	swait.ge [sflag:s13], $0x2000  }
0xf8: {  	[sflag:s13] =	ssyncset.done $0x0  }
0xf9: {  	s28 =	simm.s32 $0xE;
	[sflag:s13] =	ssyncadd.s32 $0xFFFFE000  }
0xfa: {  	_ =	swait.ge [sflag:s28], $0x2000  }
0xfb: {  	[sflag:s28] =	ssyncset.done $0x0  }
0xfc: {  	s29 =	simm.s32 $0xF;
	[sflag:s28] =	ssyncadd.s32 $0xFFFFE000  }
0xfd: {  	_ =	swait.ge [sflag:s29], $0x2000  }
0xfe: {  	[sflag:s29] =	ssyncset.done $0x0  }
0xff: {  	s30 =	simm.s32 $0x10;
	[sflag:s29] =	ssyncadd.s32 $0xFFFFE000  }
0x100: {  	_ =	swait.ge [sflag:s30], $0x2000  }
0x101: {  	s5 =	sadd.s32 $0x1, s5;
	s31 =	rddreg [dreg:$0xc]  }
0x102: {  	p0 =	sne.s32 s5, s31  }
.Ltmp1:
0x103: {  	_ = 	snop;
	(pc) =	sbr.rel @p0 .LBB2_1-.Ltmp1, $3  }
0x104: {  	_ =	sdelay $0x1  }
0x105: {  	[sflag:s30] =	ssyncset.done $0x0  }
0x106: {  	[sflag:s30] =	ssyncadd.s32 $0xFFFFE000  }
0x107: {  	_ =	sfence.sel $0x180000  }
0x108: {  	[bflag:$0x0] =	sbarrier.arrive $0xFFFF  }
0x109: {  	_ =	strace $0x90000047  }
0x10a: {  	s0 =	stileid.u32;
	[bflag:$0x2] =	sbarrier.arrive $0xFFFF  }
0x10b: {  	p0 =	sne.s32 s0, $0x0;
	s0 =	rddreg [dreg:$0x2]  }
0x10c: {  	s0 =	sadd.s32 @!p0 $0x100000, s0  }
0x10d: {  	[sflag:s0] =	ssyncadd.tile.s32 @!p0 $0x1;
	_ =	shalt  }
.Lfunc_end2:
_tile_overlayer_lowered:
.L_overlay_start_2:
0x10e: {  	(tag) =	ssettag $0x2  }
0x10f: {  	s0 =	rddreg [dreg:$0x0];
	s2 =	stileid.u32  }
0x110: {  	s1 =	rddreg [dreg:$0x1];
	p0 =	sne.s32 s2, $0x0  }
0x111: {  	s3 =	rddreg [dreg:$0x2];
	[bflag:$0x3] =	sbarrier.arrive $0xFFFF;
	s2 =	simm.s32 @!p0 $0x1C11  }
0x112: {  	[timem:s3], [sflag:s2] =	dma.local @!p0 [hbm:s0], s1  }
0x113: {  	s0 =	simm.s32 @!p0 $0x11  }
0x114: {  	_ =	swait.ge @!p0 [sflag:s0], s1  }
0x115: {  	s1 =	ssub.s32 @!p0 $0x0, s1;
	[sflag:s0] =	ssyncset.done @!p0 $0x0  }
0x116: {  	[sflag:s0] =	ssyncadd.s32 @!p0 s1  }
0x117: {  	[bflag:$0x3] =	sbarrier.arrive $0xFFFF  }
0x118: {  	_ =	shalt  }

// kernel: sparse-core-data-format-call.cloned.1.call-start
scs
called_computation_lowered:
.L_overlay_start_0:
0x0: {  	s2 =	sld [smem:$0x3FD9]  }
0x1: {  	s3 =	sld [smem:$0x3FFE];
	_ =	sdelay $0x1  }
0x2: {  	s1 =	srdreg.scid  }
0x3: {  	s0 =	sand.u32 $0x1, s1  }
0x4: {  	s18 =	sshll.u32 s0, $0xA;
	s2 =	sadd.s32 s3, s2  }
0x5: {  	s2 =	sadd.s32 s2, s18  }
0x6: {  	[smem:$0x3FC6] =	sst s2  }
0x7: {  	_ = 	snop  }
0x8: {  	s2 =	sld [smem:$0x3FD0];
	(tm) =	ssettm $0x1  }
0x9: {  	s19 =	sld [smem:$0x3FFB];
	_ =	sdelay $0x3  }
0xa: {  	_ =	strace s19  }
0xb: {  	s3 =	sld [smem:$0x3FFC];
	_ =	sdelay $0x3  }
0xc: {  	_ =	strace s3  }
0xd: {  	s3 =	sld [smem:$0x3FFD];
	_ =	sdelay $0x3  }
0xe: {  	_ =	strace s3  }
0xf: {  	_ =	strace $0x8FFFFFFF  }
0x10: {  	s20 =	sld [smem:$0x3FDB];
	_ =	sdelay $0x1  }
0x11: {  	s4 =	simm.s32 $_scs_section_size  }
0x12: {  	s5 =	simm.s32 $_size__tile_overlayer_lowered;
	s6 =	simm.s32 $_tile_overlayer_lowered  }
0x13: {  	s23 =	simm.s32 $0x1BFF;
	s22 =	sshll.u32 s6, $0x1;
	s3 =	sadd.s32 s4, s20  }
0x14: {  	s7 =	simm.s32 $0x0;
	s21 =	sshll.u32 s5, $0x1;
	s5 =	sadd.s32 s22, s3  }
0x15: {  	[timem:s7], [sflag:s23] =	dma.local [hbm:s5], s21  }
0x16: {  	_ =	swait.ge [sflag:s23], s21  }
0x17: {  	s4 =	ssub.s32 $0x0, s21;
	[sflag:s23] =	ssyncset.done $0x0  }
0x18: {  	[sflag:s23] =	ssyncadd.s32 s4;
	_ =	sdelay $0x1  }
0x19: {  	s24 =	simm.s32 $0x1B8B  }
0x1a: {  	_ =	swait.ge [sflag:s24], $0x1  }
0x1b: {  	[sflag:s24] =	ssyncset.done $0x0  }
0x1c: {  	s26 =	simm.s32 $0x1B8E;
	s25 =	sld [smem:$0x3FFE];
	[sflag:s24] =	ssyncadd.s32 $0xFFFFFFFF  }
0x1d: {  	s27 =	simm.s32 $execute0_lowered;
	[smem:$0x3FD2] =	sst s26  }
0x1e: {  	s5 =	sshll.u32 s27, $0x1;
	_ =	strace $0x80000049;
	[dreg:$0x1] =	wrdreg $0xFFFFFFFF  }
0x1f: {  	s28 =	simm.s32 $_size_execute0_lowered;
	s3 =	sadd.s32 s3, s5;
	[dreg:$0x0] =	wrdreg $0x0  }
0x20: {  	s5 =	sshll.u32 s28, $0x1;
	[dreg:$0x2] =	wrdreg s3  }
0x21: {  	[dreg:$0x3] =	wrdreg s5  }
0x22: {  	[dreg:$0x4] =	wrdreg $0xC0  }
0x23: {  	_ =	task [dreg:s7], $0x5FFFF  }
0x24: {  	[dreg:$0x1] =	wrdreg $0xFFFFFFFF  }
0x25: {  	[dreg:$0x0] =	wrdreg $0x60  }
0x26: {  	[dreg:$0x2] =	wrdreg s25  }
0x27: {  	[dreg:$0x3] =	wrdreg s2  }
0x28: {  	[dreg:$0x4] =	wrdreg $0x9  }
0x29: {  	_ =	task.clear_ibuf [dreg:s7], $0x5FFFF;
	_ =	strace $0x90000049  }
0x2a: {  	s29 =	simm.s32 $0x9;
	_ =	strace $0x8000004B  }
0x2b: {  	_ =	swait.ge [sflag:s29], $0x1  }
0x2c: {  	[sflag:s29] =	ssyncadd.s32 $0xFFFFFFFF  }
0x2d: {  	_ =	strace $0x9000004B  }
0x2e: {  	_ =	sfence  }
0x2f: {  	s30 =	sld [smem:$0x0];
	_ =	sdelay $0x2  }
0x30: {  	s31 =	sshll.u32 s1, $0xD;
	s1 =	sshrl.u32 s1, $0x2  }
0x31: {  	s3 =	sand.u32 $0x4000, s31;
	s1 =	sadd.s32 s1, s30  }
0x32: {  	s0 =	sor.u32 s3, s0;
	s1 =	sshll.u32 s1, $0x11  }
0x33: {  	s0 =	sor.u32 s1, s0  }
0x34: {  	s0 =	sadd.s32 $0x8F2B, s0  }
0x35: {  	[sflag:s0] =	ssyncadd.remote.s32 $0x1  }
0x36: {  	_ =	sfence.sel $0xFFFF  }
0x37: {  	[dreg:$0x0] =	wrdreg $0xFFFFFFFF;
	(pc) =	sbr.abs _section_cstart, $3  }
0x38: {  	[dreg:$0x1] =	wrdreg $0xFFFFFFFF  }
0x39: {  	_ =	task.clear_ibuf [dreg:s7], $0x2FFFF;
	_ =	strace $0x9FFFFFFF  }
0x3a: {  	(tm) =	ssettm $0x7FFFFFFF  }
0x3b: {  	_ =	shalt  }
tec
execute0_lowered:
.L_overlay_start_1:
0x0: {  	(tag) =	ssettag $0x1  }
0x1: {  	s0 =	srdreg.scid  }
0x2: {  	s1 =	sshll.u32 s0, $0x4  }
0x3: {  	s0 =	stileid.u32;
	s1 =	sand.u32 $0x10, s1  }
0x4: {  	s1 =	sor.u32 s0, s1  }
0x5: {  	s6 =	rddreg [dreg:$0x0];
	s4 =	simm.s32 $0x1;
	s2 =	sshll.u32 s1, $0x7  }
0x6: {  	s7 =	simm.s32 $0x2;
	s12 =	simm.s32 $0x0;
	s1 =	ssub.s32 $0x4000, s2  }
0x7: {  	s8 =	simm.s32 $0x20000;
	s13 =	simm.s32 $0x0;
	s3 =	sand.u32 $0xF80, s1  }
0x8: {  	s9 =	simm.s32 $0x0;
	s5 =	sshrl.u32 s1, $0xC;
	p0 =	sne.s32 s3, $0x0  }
.Ltmp0:
0x9: {  	s1 =	rddreg [dreg:$0x2];
	s4 =	simm.s32 @!p0 $0x0;
	(pc) =	sbr.rel .LBB1_1-.Ltmp0, $4  }
0xa: {  	s11 =	simm.s32 $0x0;
	s3 =	rddreg [dreg:$0x1];
	s5 =	sadd.s32 s4, s5  }
0xb: {  	_ =	strace $0x8000004A;
	s4 =	simm.s32 $0x1;
	s5 =	smul.u32 $0x32, s5  }
0xc: {  	s6 =	sadd.s32 $0xA00, s6;
	s10 =	smov.u32 s2;
	[sflag:s4] =	ssyncpa.u1 $0x0  }
0xd: {  	p0 =	por $0x0, $0x0;
	[sflag:s7] =	ssyncpa.u1 $0x0;
	s7 =	sor.u32 $0x1, s5  }
.LBB1_4:
0xe: {  	s16 =	sshll.u32 s13, $0x3;
	s17 =	sand.u32 $0x78, s13  }
0xf: {  	s30 =	sand.u32 $0x1F800, s13;
	s12 =	sshll.u32 s12, $0x11;
	s16 =	sand.u32 $0x3C00, s16  }
0x10: {  	[tilespmem:s15+$0x810 ss:$0x81] =	vst.msk $0xffff, v2;
	s31 =	sand.u32 $0x7, s13;
	s16 =	sor.u32 s17, s16;
	s17 =	sadd.s32 s3, s30  }
0x11: {  	[tilespmem:s15+$0x1020 ss:$0x81] =	vst.msk $0xffff, v0;
	s13 =	sshll.u32 s31, $0x12;
	s12 =	sadd.s32 s12, s17;
	s16 =	sshrl.u32 s16, $0x3  }
0x12: {  	[tilespmem:s15+$0x0 ss:$0x81] =	vst.msk $0xffff, v1;
	s13 =	sor.u32 $0x400, s13;
	s12 =	sadd.s32 s16, s12  }
0x13: {  	[hbm4b:s12+s13] =	stream.strided.scatter [tilespmem:s14], [sflag:$0x2], $0x2000, s8, s13, $0x20;
	[tilespmem:$0x8080] =	vst v63  }
.LBB1_5:
0x14: {  	s14 =	sadd.s32 $0x1, s9  }
0x15: {  	s12 =	sadd.s32 $0x1000, s10;
	s16 =	smov.u32 s10;
	p2 =	sgt.s32 s14, $0x31  }
0x16: {  	s16 =	smov.u32 @p2 s12  }
0x17: {  	s14 =	simm.s32 @p2 $0x0;
	p2 =	sgt.s32 s16, $0x3FFF  }
0x18: {  	s16 =	smov.u32 @p2 s2;
	p2 =	sne.s32 s11, s7  }
.Ltmp1:
0x19: {  	p1 =	slt.u32 s11, $0x2;
	(pc) =	sbr.rel @!p2 .LBB1_6-.Ltmp1, $4  }
0x1a: {  	s15 =	simm.s32 @!p1 $0x2  }
0x1b: {  	s13 =	smov.u32 s10;
	p0 =	por !p0, !p0;
	_ =	swait.ge @!p1 [sflag:s15], $0x2000  }
0x1c: {  	s12 =	smov.u32 s9;
	[sflag:s15] =	ssyncset.done @!p1 $0x0;
	s9 =	smov.u32 s14  }
0x1d: {  	s11 =	sadd.s32 $0x1, s11;
	[sflag:s15] =	ssyncadd.s32 @!p1 $0xFFFFE000;
	s10 =	smov.u32 s16  }
.LBB1_1:
0x1e: {  	p1 =	sge.u32 s11, s5  }
0x1f: {  	s14 =	sand.u32 @!p1 $0x1FFFFFF, s9  }
0x20: {  	s15 =	smulhi.u32 @!p1 $0x4924925, s14;
	_ =	sdelay $0x1  }
0x21: {  	s15 =	smul.u32 @!p1 $0x38, s15  }
0x22: {  	s16 =	sxor.u32 @!p1 $0xFFFFFFFF, s11;
	s17 =	smul.u32 @!p1 $0x380, s10  }
0x23: {  	s31 =	sadd.s32 $0xFFFFFFFF, s11;
	s16 =	sshll.u32 @!p1 s16, $0xD;
	s14 =	ssub.s32 @!p1 s14, s15  }
0x24: {  	s15 =	sand.u32 @!p1 $0x2000, s16;
	s16 =	sadd.s32 @!p1 s6, s17;
	s14 =	sshll.u32 @!p1 s14, $0x4  }
0x25: {  	s17 =	simm.s32 @!p1 $0x1C00;
	s14 =	sadd.s32 @!p1 s14, s16;
	s16 =	simm.s32 @!p1 $0x40  }
0x26: {  	[tilespmem:s15], [sflag:$0x1] =	stream.strided.gather @!p1 [hbm4b:s14+s16], $0x2000, s17, s16, $0x38;
	[tilespmem:$0x8080] =	vst v63  }
0x27: {  	p1 =	sge.u32 s31, s5  }
.Ltmp2:
0x28: {  	_ = 	snop;
	(pc) =	sbr.rel @p1 .LBB1_5-.Ltmp2, $1  }
0x29: {  	_ =	sdelay $0x3  }
0x2a: {  	s14 =	simm.s32 $0x1  }
0x2b: {  	_ =	swait.ge [sflag:s4], $0x2000;
	s14 =	simm.s32 @!p0 $0x0  }
0x2c: {  	[sflag:s4] =	ssyncset.done $0x0;
	s15 =	sshll.u32 s14, $0xD  }
0x2d: {  	[sflag:s4] =	ssyncadd.s32 $0xFFFFE000;
	s18 =	sor.u32 $0x20, s15  }
0x2e: {  	s14 =	smul.u32 $0x8100, s14;
	v3 =	vld [tilespmem:s18+$0x10]  }
0x2f: {  	s30 =	sand.u32 $0x1, s11;
	v2 =	vld [tilespmem:s18+$0xFFFFFFF0]  }
0x30: {  	s15 =	smul.u32 $0x8100, s30;
	s14 =	sshrl.u32 s14, $0x2;
	v0 =	vld [tilespmem:s18+$0x0]  }
0x31: {  	v1 =	vld [tilespmem:s18+$0xFFFFFFE0];
	s16 =	sor.u32 $0x4000, s14  }
0x32: {  	s31 =	sshrl.u32 s15, $0x2;
	s15 =	sadd.s32 $0x0, s16  }
0x33: {  	s17 =	simm.s32 $0x4;
	s18 =	sadd.s32 $0x40, s18;
	s14 =	sor.u32 $0x4000, s31;
	[tilespmem:s15+$0x1830 ss:$0x81] =	vst.msk $0xffff, v3  }
.LBB1_3:
0x34: {  	v3 =	vld [tilespmem:s18+$0x10];
	p1 =	sne.s32 s17, $0x1FC;
	[tilespmem:s15+$0x810 ss:$0x81] =	vst.msk $0xffff, v2;
	s19 =	smov.u32 s17;
	s17 =	sadd.s32 $0x4, s17  }
.Ltmp3:
0x35: {  	v2 =	vld [tilespmem:s18+$0xFFFFFFF0];
	[tilespmem:s15+$0x1020 ss:$0x81] =	vst.msk $0xffff, v0;
	(pc) =	sbr.rel @p1 .LBB1_3-.Ltmp3, $4  }
0x36: {  	v0 =	vld [tilespmem:s18+$0x0];
	[tilespmem:s15+$0x0 ss:$0x81] =	vst.msk $0xffff, v1  }
0x37: {  	s15 =	sshra.s32 s19, $0x2;
	v1 =	vld [tilespmem:s18+$0xFFFFFFE0]  }
0x38: {  	s15 =	sadd.s32 s15, s16  }
0x39: {  	s18 =	sadd.s32 $0x40, s18;
	[tilespmem:s15+$0x1830 ss:$0x81] =	vst.msk $0xffff, v3  }
.Ltmp4:
0x3a: {  	_ = 	snop;
	(pc) =	sbr.rel .LBB1_4-.Ltmp4, $1  }
0x3b: {  	_ =	sdelay $0x3  }
.LBB1_6:
0x3c: {  	_ =	sfence.sel $0x180000  }
0x3d: {  	s2 =	simm.s32 $0x1;
	[bflag:$0x0] =	sbarrier.arrive $0xFFFF  }
0x3e: {  	s31 =	simm.s32 $0x2;
	[sflag:s2] =	ssyncpa.u1 $0x1  }
0x3f: {  	[sflag:s31] =	ssyncpa.u1 $0x1  }
0x40: {  	p0 =	sne.s32 s0, $0x0;
	_ =	strace $0x9000004A  }
0x41: {  	s0 =	sadd.s32 @!p0 $0x100000, s1;
	[bflag:$0x2] =	sbarrier.arrive $0xFFFF  }
0x42: {  	[sflag:s0] =	ssyncadd.tile.s32 @!p0 $0x1;
	_ =	shalt  }
.Lfunc_end1:
_tile_overlayer_lowered:
.L_overlay_start_2:
0x43: {  	(tag) =	ssettag $0x2  }
0x44: {  	s0 =	rddreg [dreg:$0x0];
	s2 =	stileid.u32  }
0x45: {  	s1 =	rddreg [dreg:$0x1];
	p0 =	sne.s32 s2, $0x0  }
0x46: {  	s3 =	rddreg [dreg:$0x2];
	[bflag:$0x3] =	sbarrier.arrive $0xFFFF;
	s2 =	simm.s32 @!p0 $0x1C01  }
0x47: {  	[timem:s3], [sflag:s2] =	dma.local @!p0 [hbm:s0], s1  }
0x48: {  	s0 =	simm.s32 @!p0 $0x1  }
0x49: {  	_ =	swait.ge @!p0 [sflag:s0], s1  }
0x4a: {  	s1 =	ssub.s32 @!p0 $0x0, s1;
	[sflag:s0] =	ssyncset.done @!p0 $0x0  }
0x4b: {  	[sflag:s0] =	ssyncadd.s32 @!p0 s1  }
0x4c: {  	[bflag:$0x3] =	sbarrier.arrive $0xFFFF  }
0x4d: {  	_ =	shalt  }

</sc_bundles>
